<compile_context>
chip_gen: v7x
topology: tpu7x:2x2x1
jax: 0.10.2.dev20260603
libtpu: 0.0.44.dev20260713+nightly
codegen_flags: <defaults>
</compile_context>

<pallas_src>
import jax
import jax.numpy as jnp
from jax import lax
from jax.experimental import pallas as pl
from jax.experimental.pallas import tpu as pltpu
from jax.experimental.pallas import tpu_sc as plsc

_NBUF = 4
_ROW = 8192
_ROWS_PER_WORKER = 128
_TBL = 32768


def _sc_body(x_hbm, tbl_hbm, starts_hbm, out_hbm,
             tbl_v, starts_v,
             in0, in1, in2, in3, ou0, ou1, ou2, ou3, in_sems, out_sems):
    in_bufs = [in0, in1, in2, in3]
    out_bufs = [ou0, ou1, ou2, ou3]
    num_cores = 2
    wid = lax.axis_index("s") * num_cores + lax.axis_index("c")
    r0 = wid * _ROWS_PER_WORKER
    n = r0 // 512
    j0 = r0 % 512

    pltpu.sync_copy(starts_hbm, starts_v)
    pltpu.sync_copy(tbl_hbm, tbl_v)

    lane = lax.iota(jnp.int32, 16)
    nvec = (lane * 0 + n)[:, None]
    dn = lax.GatherDimensionNumbers(
        offset_dims=(), collapsed_slice_dims=(0,), start_index_map=(0,))
    base_vec = lax.gather(starts_v[...], nvec, dn, slice_sizes=(1,),
                          mode=lax.GatherScatterMode.PROMISE_IN_BOUNDS)
    base_vec = base_vec - j0 * 16 + lane

    def start_in(b, t):
        return pltpu.async_copy(x_hbm.at[r0 + t], in_bufs[b], in_sems.at[b])

    def start_out(b, t):
        return pltpu.async_copy(out_bufs[b], out_hbm.at[r0 + t],
                                out_sems.at[b])

    def wait_in(b, t):
        pltpu.make_async_copy(x_hbm.at[r0 + t], in_bufs[b],
                              in_sems.at[b]).wait()

    def wait_out(b, t):
        pltpu.make_async_copy(out_bufs[b], out_hbm.at[r0 + t],
                              out_sems.at[b]).wait()

    for b in range(_NBUF):
        start_in(b, b)

    @pl.loop(0, _ROWS_PER_WORKER, step=_NBUF)
    def _row_group(t0):
        for b in range(_NBUF):
            t = t0 + b
            wait_in(b, t)

            @pl.when(t >= _NBUF)
            def _():
                wait_out(b, t - _NBUF)

            src = in_bufs[b]
            dst = out_bufs[b]
            row_vec = base_vec - t * 16

            @plsc.parallel_loop(0, _ROW // 16, unroll=8)
            def _chunk(k):
                i = k * 16
                tval = plsc.load_gather(tbl_v, [row_vec + i])
                dst[pl.ds(i, 16)] = src[pl.ds(i, 16)] + tval

            start_out(b, t)

            @pl.when(t + _NBUF < _ROWS_PER_WORKER)
            def _():
                start_in(b, t + _NBUF)

    for b in range(_NBUF):
        wait_out(b, _ROWS_PER_WORKER - _NBUF + b)


def kernel(x, crop_x, crop_y, b):
    bsz, csx, csy, nb = x.shape
    bias_size = b.shape[0]

    table = jnp.concatenate(
        [b[1:][::-1], b, jnp.zeros((1, nb), b.dtype)], axis=0)
    tbl_flat = table.reshape(-1)

    start_diag = crop_x[:, 0].astype(jnp.int32) - crop_y[:, 0].astype(jnp.int32)
    starts = (start_diag + bias_size - 1) * nb
    starts = jnp.concatenate(
        [starts, jnp.zeros((16 - bsz,), jnp.int32)])

    xf = x.reshape(bsz * csx, csy * nb)

    mesh = plsc.VectorSubcoreMesh(core_axis_name="c", subcore_axis_name="s")
    out = pl.kernel(
        _sc_body,
        out_type=jax.ShapeDtypeStruct(xf.shape, x.dtype),
        mesh=mesh,
        compiler_params=pltpu.CompilerParams(needs_layout_passes=False),
        scratch_types=[
            pltpu.VMEM((_TBL,), jnp.float32),
            pltpu.VMEM((16,), jnp.int32),
            pltpu.VMEM((_ROW,), jnp.float32),
            pltpu.VMEM((_ROW,), jnp.float32),
            pltpu.VMEM((_ROW,), jnp.float32),
            pltpu.VMEM((_ROW,), jnp.float32),
            pltpu.VMEM((_ROW,), jnp.float32),
            pltpu.VMEM((_ROW,), jnp.float32),
            pltpu.VMEM((_ROW,), jnp.float32),
            pltpu.VMEM((_ROW,), jnp.float32),
            pltpu.SemaphoreType.DMA((_NBUF,)),
            pltpu.SemaphoreType.DMA((_NBUF,)),
        ],
    )(xf, tbl_flat, starts)
    return out.reshape(bsz, csx, csy, nb)

# --- scband reference (transcript-rebuilt; emitter-appended) ---
"""Pipeline reference for scband-position-bias-26637387170463 (READ-ONLY COPY).

The authoritative reference and input builder live on the scoring server;
editing this copy changes nothing except your own understanding.
"""

import jax, jax.numpy as jnp
import numpy as np

BIAS_SIZE = 1024

def setup_inputs(seed: int = 0) -> dict:
    key = jax.random.key(seed)
    k1, k2, k3, k4 = jax.random.split(key, 4)
    x = jax.random.normal(k1, (8, 512, 512, 16), dtype=jnp.float32)
    crop_x = jax.random.randint(k2, (8, 2), 0, 128, dtype=jnp.int32)
    crop_y = jax.random.randint(k3, (8, 2), 0, 128, dtype=jnp.int32)
    # learned bias table (original init is zeros; use small random for a nontrivial reference)
    b = jax.random.normal(k4, (BIAS_SIZE, 16), dtype=jnp.float32) * 0.02
    return {"x": x, "crop_x": crop_x, "crop_y": crop_y, "b": b}

def reference(x, crop_x, crop_y, b):
    bias_size = b.shape[0]
    crop_size_x = x.shape[1]
    crop_size_y = x.shape[2]
    num_bins = x.shape[3]
    crop_x = crop_x.astype(jnp.int32)
    crop_y = crop_y.astype(jnp.int32)
    padded_bias_size = bias_size
    pad_n = padded_bias_size - bias_size
    biases = jnp.concatenate([b, jnp.tile(b[-1:, :], (pad_n, 1))], axis=0)
    biases = jnp.concatenate([biases[1:, :][::-1, :], biases], axis=0)
    start_diag = crop_x[:, 0:1] - crop_y[:, 0:1]
    diag_increment = -jnp.arange(crop_size_y, dtype=jnp.int32)[None, :]
    row_start_diag = (start_diag + diag_increment).reshape(-1)
    row_start_diag_bias_index = row_start_diag + padded_bias_size - 1
    slice_fn = lambda i: jax.lax.dynamic_slice(biases, (i, 0), (crop_size_x, num_bins))
    cropped_biases = jax.vmap(slice_fn)(row_start_diag_bias_index)
    cropped_biases = cropped_biases.reshape(-1, crop_size_y, crop_size_x, num_bins)
    return x + cropped_biases

if __name__ == "__main__":
    import jax
    _d = setup_inputs()
    print(jax.jit(kernel)(*tuple(_d.values())))

</pallas_src>

<mosaic_0001>
#map = affine_map<(d0, d1) -> (0, 0)>
#map1 = affine_map<(d0, d1) -> (0)>
module attributes {stable_mosaic.version = 14 : i64} {
  func.func @_sc_body(%arg0: i32, %arg1: i32, %arg2: memref<4096x8192xf32, #tpu.memory_space<hbm>>, %arg3: memref<32768xf32, #tpu.memory_space<hbm>>, %arg4: memref<16xi32, #tpu.memory_space<hbm>>, %arg5: memref<4096x8192xf32, #tpu.memory_space<hbm>>, %arg6: memref<32768xf32, #tpu.memory_space<vmem>>, %arg7: memref<16xi32, #tpu.memory_space<vmem>>, %arg8: memref<8192xf32, #tpu.memory_space<vmem>>, %arg9: memref<8192xf32, #tpu.memory_space<vmem>>, %arg10: memref<8192xf32, #tpu.memory_space<vmem>>, %arg11: memref<8192xf32, #tpu.memory_space<vmem>>, %arg12: memref<8192xf32, #tpu.memory_space<vmem>>, %arg13: memref<8192xf32, #tpu.memory_space<vmem>>, %arg14: memref<8192xf32, #tpu.memory_space<vmem>>, %arg15: memref<8192xf32, #tpu.memory_space<vmem>>, %arg16: memref<4x!tpu.dma_semaphore, #tpu.memory_space<semaphore_mem>>, %arg17: memref<4x!tpu.dma_semaphore, #tpu.memory_space<semaphore_mem>>) attributes {dimension_semantics = [#tpu.dimension_semantics<core_parallel>, #tpu.dimension_semantics<subcore_parallel>], iteration_bounds = array<i64: 2, 16>, scalar_prefetch = 0 : i64, scratch_operands = 12 : i64, tpu.core_type = #tpu.core_type<sc_vector_subcore>, window_params = [{transform_indices = #map}, {transform_indices = #map1}, {transform_indices = #map1}, {transform_indices = #map}]} {
    %mul3A = arith.constant 2 : i32
    %mul3A_0 = arith.muli %arg1, %mul3A : i32
    %add3A = arith.addi %mul3A_0, %arg0 : i32
    %mul3A_1 = arith.constant 128 : i32
    %mul3A_2 = arith.muli %add3A, %mul3A_1 : i32
    %jit3A = arith.constant 512 : i32
    %div3A = arith.divsi %mul3A_2, %jit3A : i32
    %sign3A = arith.constant 0 : i32
    %sign3A_3 = arith.cmpi sgt, %mul3A_2, %sign3A : i32
    %sign3A_4 = arith.extui %sign3A_3 : i1 to i32
    %sign3A_5 = arith.constant 0 : i32
    %sign3A_6 = arith.cmpi slt, %mul3A_2, %sign3A_5 : i32
    %sign3A_7 = arith.extui %sign3A_6 : i1 to i32
    %sign3A_8 = arith.subi %sign3A_4, %sign3A_7 : i32
    %sign3A_9 = arith.constant 0 : i32
    %sign3A_10 = arith.cmpi sgt, %jit3A, %sign3A_9 : i32
    %sign3A_11 = arith.extui %sign3A_10 : i1 to i32
    %sign3A_12 = arith.constant 0 : i32
    %sign3A_13 = arith.cmpi slt, %jit3A, %sign3A_12 : i32
    %sign3A_14 = arith.extui %sign3A_13 : i1 to i32
    %sign3A_15 = arith.subi %sign3A_11, %sign3A_14 : i32
    %ne3A = arith.cmpi ne, %sign3A_8, %sign3A_15 : i32
    %rem3A = arith.remsi %mul3A_2, %jit3A : i32
    %ne3A_16 = arith.constant 0 : i32
    %ne3A_17 = arith.cmpi ne, %rem3A, %ne3A_16 : i32
    %and3A = arith.andi %ne3A, %ne3A_17 : i1
    %sub3A = arith.constant 1 : i32
    %sub3A_18 = arith.subi %div3A, %sub3A : i32
    %select_n3A = arith.select %and3A, %sub3A_18, %div3A : i32
    %jit3A_19 = arith.constant 512 : i32
    %eq3A = arith.constant 0 : i32
    %eq3A_20 = arith.cmpi eq, %jit3A_19, %eq3A : i32
    %jit3A_21 = arith.constant 1 : i32
    %select_n3A_22 = arith.select %eq3A_20, %jit3A_21, %jit3A_19 : i32
    %rem3A_23 = arith.remsi %mul3A_2, %select_n3A_22 : i32
    %ne3A_24 = arith.constant 0 : i32
    %ne3A_25 = arith.cmpi ne, %rem3A_23, %ne3A_24 : i32
    %lt3A = arith.constant 0 : i32
    %lt3A_26 = arith.cmpi slt, %rem3A_23, %lt3A : i32
    %lt3A_27 = arith.constant 0 : i32
    %lt3A_28 = arith.cmpi slt, %select_n3A_22, %lt3A_27 : i32
    %ne3A_29 = arith.xori %lt3A_26, %lt3A_28 : i1
    %and3A_30 = arith.andi %ne3A_29, %ne3A_25 : i1
    %add3A_31 = arith.addi %rem3A_23, %select_n3A_22 : i32
    %select_n3A_32 = arith.select %and3A_30, %add3A_31, %rem3A_23 : i32
    "tpu.region"() ({
      %run_scoped3A = tpu.sem_alloc : memref<!tpu.dma_semaphore, #tpu.memory_space<semaphore_mem>>
      tpu.enqueue_dma source(%arg4 : memref<16xi32, #tpu.memory_space<hbm>>) target(%arg7 : memref<16xi32, #tpu.memory_space<vmem>>) target_semaphore(%run_scoped3A : memref<!tpu.dma_semaphore, #tpu.memory_space<semaphore_mem>>)
      tpu.wait_dma2 semaphore(%run_scoped3A : memref<!tpu.dma_semaphore, #tpu.memory_space<semaphore_mem>>) src(%arg4 : memref<16xi32, #tpu.memory_space<hbm>>) dst(%arg7 : memref<16xi32, #tpu.memory_space<vmem>>)
      tpu.yield
    }) : () -> ()
    "tpu.region"() ({
      %run_scoped3A = tpu.sem_alloc : memref<!tpu.dma_semaphore, #tpu.memory_space<semaphore_mem>>
      tpu.enqueue_dma source(%arg3 : memref<32768xf32, #tpu.memory_space<hbm>>) target(%arg6 : memref<32768xf32, #tpu.memory_space<vmem>>) target_semaphore(%run_scoped3A : memref<!tpu.dma_semaphore, #tpu.memory_space<semaphore_mem>>)
      tpu.wait_dma2 semaphore(%run_scoped3A : memref<!tpu.dma_semaphore, #tpu.memory_space<semaphore_mem>>) src(%arg3 : memref<32768xf32, #tpu.memory_space<hbm>>) dst(%arg6 : memref<32768xf32, #tpu.memory_space<vmem>>)
      tpu.yield
    }) : () -> ()
    %iota3A = tpu.iota {dimensions = array<i32: 0>} : vector<16xi32>
    %mul3A_33 = arith.constant 0 : i32
    %mul3A_34 = vector.broadcast %mul3A_33 : i32 to vector<16xi32>
    %mul3A_35 = arith.muli %iota3A, %mul3A_34 : vector<16xi32>
    %add3A_36 = vector.broadcast %select_n3A : i32 to vector<16xi32>
    %add3A_37 = arith.addi %mul3A_35, %add3A_36 : vector<16xi32>
    %broadcast_in_dim3A = vector.shape_cast %add3A_37 : vector<16xi32> to vector<16x1xi32>
    %get3A = arith.constant 0 : index
    %get3A_38 = tpu.vector_load %arg7[%get3A] {strides = array<i32>} : memref<16xi32, #tpu.memory_space<vmem>>, vector<16xi32>,
    %gather3A = vector.shape_cast %broadcast_in_dim3A : vector<16x1xi32> to vector<16xi32>
    %gather3A_39 = tpu.dynamic_gather %get3A_38[%gather3A] in [0] : vector<16xi32>, vector<16xi32> -> vector<16xi32>
    %mul3A_40 = arith.constant 16 : i32
    %mul3A_41 = arith.muli %select_n3A_32, %mul3A_40 : i32
    %sub3A_42 = vector.broadcast %mul3A_41 : i32 to vector<16xi32>
    %sub3A_43 = arith.subi %gather3A_39, %sub3A_42 : vector<16xi32>
    %add3A_44 = arith.addi %sub3A_43, %iota3A : vector<16xi32>
    %add3A_45 = arith.constant 0 : i32
    %add3A_46 = arith.addi %mul3A_2, %add3A_45 : i32
    %dma_start3A = arith.constant 0 : i32
    %dma_start3A_47 = arith.constant 0 : i32
    %dma_start3A_48 = tpu.memref_slice %arg2[%add3A_46, %dma_start3A_47] : memref<4096x8192xf32, #tpu.memory_space<hbm>> -> memref<1x8192xf32, #tpu.memory_space<hbm>>
    %dma_start3A_49 = tpu.memref_squeeze %dma_start3A_48 : memref<1x8192xf32, #tpu.memory_space<hbm>> -> memref<8192xf32, #tpu.memory_space<hbm>>
    %dma_start3A_50 = tpu.memref_slice %arg16[%dma_start3A] : memref<4x!tpu.dma_semaphore, #tpu.memory_space<semaphore_mem>> -> memref<1x!tpu.dma_semaphore, #tpu.memory_space<semaphore_mem>>
    %dma_start3A_51 = tpu.memref_squeeze %dma_start3A_50 : memref<1x!tpu.dma_semaphore, #tpu.memory_space<semaphore_mem>> -> memref<!tpu.dma_semaphore, #tpu.memory_space<semaphore_mem>>
    %dma_start3A_52 = arith.constant 0 : i32
    %dma_start3A_53 = tpu.memref_slice %arg2[%add3A_46, %dma_start3A_52] : memref<4096x8192xf32, #tpu.memory_space<hbm>> -> memref<1x8192xf32, #tpu.memory_space<hbm>>
    %dma_start3A_54 = tpu.memref_squeeze %dma_start3A_53 : memref<1x8192xf32, #tpu.memory_space<hbm>> -> memref<8192xf32, #tpu.memory_space<hbm>>
    tpu.enqueue_dma source(%dma_start3A_54 : memref<8192xf32, #tpu.memory_space<hbm>>) target(%arg8 : memref<8192xf32, #tpu.memory_space<vmem>>) target_semaphore(%dma_start3A_51 : memref<!tpu.dma_semaphore, #tpu.memory_space<semaphore_mem>>)
    %add3A_55 = arith.constant 1 : i32
    %add3A_56 = arith.addi %mul3A_2, %add3A_55 : i32
    %dma_start3A_57 = arith.constant 1 : i32
    %dma_start3A_58 = arith.constant 0 : i32
    %dma_start3A_59 = tpu.memref_slice %arg2[%add3A_56, %dma_start3A_58] : memref<4096x8192xf32, #tpu.memory_space<hbm>> -> memref<1x8192xf32, #tpu.memory_space<hbm>>
    %dma_start3A_60 = tpu.memref_squeeze %dma_start3A_59 : memref<1x8192xf32, #tpu.memory_space<hbm>> -> memref<8192xf32, #tpu.memory_space<hbm>>
    %dma_start3A_61 = tpu.memref_slice %arg16[%dma_start3A_57] : memref<4x!tpu.dma_semaphore, #tpu.memory_space<semaphore_mem>> -> memref<1x!tpu.dma_semaphore, #tpu.memory_space<semaphore_mem>>
    %dma_start3A_62 = tpu.memref_squeeze %dma_start3A_61 : memref<1x!tpu.dma_semaphore, #tpu.memory_space<semaphore_mem>> -> memref<!tpu.dma_semaphore, #tpu.memory_space<semaphore_mem>>
    %dma_start3A_63 = arith.constant 0 : i32
    %dma_start3A_64 = tpu.memref_slice %arg2[%add3A_56, %dma_start3A_63] : memref<4096x8192xf32, #tpu.memory_space<hbm>> -> memref<1x8192xf32, #tpu.memory_space<hbm>>
    %dma_start3A_65 = tpu.memref_squeeze %dma_start3A_64 : memref<1x8192xf32, #tpu.memory_space<hbm>> -> memref<8192xf32, #tpu.memory_space<hbm>>
    tpu.enqueue_dma source(%dma_start3A_65 : memref<8192xf32, #tpu.memory_space<hbm>>) target(%arg9 : memref<8192xf32, #tpu.memory_space<vmem>>) target_semaphore(%dma_start3A_62 : memref<!tpu.dma_semaphore, #tpu.memory_space<semaphore_mem>>)
    %add3A_66 = arith.constant 2 : i32
    %add3A_67 = arith.addi %mul3A_2, %add3A_66 : i32
    %dma_start3A_68 = arith.constant 2 : i32
    %dma_start3A_69 = arith.constant 0 : i32
    %dma_start3A_70 = tpu.memref_slice %arg2[%add3A_67, %dma_start3A_69] : memref<4096x8192xf32, #tpu.memory_space<hbm>> -> memref<1x8192xf32, #tpu.memory_space<hbm>>
    %dma_start3A_71 = tpu.memref_squeeze %dma_start3A_70 : memref<1x8192xf32, #tpu.memory_space<hbm>> -> memref<8192xf32, #tpu.memory_space<hbm>>
    %dma_start3A_72 = tpu.memref_slice %arg16[%dma_start3A_68] : memref<4x!tpu.dma_semaphore, #tpu.memory_space<semaphore_mem>> -> memref<1x!tpu.dma_semaphore, #tpu.memory_space<semaphore_mem>>
    %dma_start3A_73 = tpu.memref_squeeze %dma_start3A_72 : memref<1x!tpu.dma_semaphore, #tpu.memory_space<semaphore_mem>> -> memref<!tpu.dma_semaphore, #tpu.memory_space<semaphore_mem>>
    %dma_start3A_74 = arith.constant 0 : i32
    %dma_start3A_75 = tpu.memref_slice %arg2[%add3A_67, %dma_start3A_74] : memref<4096x8192xf32, #tpu.memory_space<hbm>> -> memref<1x8192xf32, #tpu.memory_space<hbm>>
    %dma_start3A_76 = tpu.memref_squeeze %dma_start3A_75 : memref<1x8192xf32, #tpu.memory_space<hbm>> -> memref<8192xf32, #tpu.memory_space<hbm>>
    tpu.enqueue_dma source(%dma_start3A_76 : memref<8192xf32, #tpu.memory_space<hbm>>) target(%arg10 : memref<8192xf32, #tpu.memory_space<vmem>>) target_semaphore(%dma_start3A_73 : memref<!tpu.dma_semaphore, #tpu.memory_space<semaphore_mem>>)
    %add3A_77 = arith.constant 3 : i32
    %add3A_78 = arith.addi %mul3A_2, %add3A_77 : i32
    %dma_start3A_79 = arith.constant 3 : i32
    %dma_start3A_80 = arith.constant 0 : i32
    %dma_start3A_81 = tpu.memref_slice %arg2[%add3A_78, %dma_start3A_80] : memref<4096x8192xf32, #tpu.memory_space<hbm>> -> memref<1x8192xf32, #tpu.memory_space<hbm>>
    %dma_start3A_82 = tpu.memref_squeeze %dma_start3A_81 : memref<1x8192xf32, #tpu.memory_space<hbm>> -> memref<8192xf32, #tpu.memory_space<hbm>>
    %dma_start3A_83 = tpu.memref_slice %arg16[%dma_start3A_79] : memref<4x!tpu.dma_semaphore, #tpu.memory_space<semaphore_mem>> -> memref<1x!tpu.dma_semaphore, #tpu.memory_space<semaphore_mem>>
    %dma_start3A_84 = tpu.memref_squeeze %dma_start3A_83 : memref<1x!tpu.dma_semaphore, #tpu.memory_space<semaphore_mem>> -> memref<!tpu.dma_semaphore, #tpu.memory_space<semaphore_mem>>
    %dma_start3A_85 = arith.constant 0 : i32
    %dma_start3A_86 = tpu.memref_slice %arg2[%add3A_78, %dma_start3A_85] : memref<4096x8192xf32, #tpu.memory_space<hbm>> -> memref<1x8192xf32, #tpu.memory_space<hbm>>
    %dma_start3A_87 = tpu.memref_squeeze %dma_start3A_86 : memref<1x8192xf32, #tpu.memory_space<hbm>> -> memref<8192xf32, #tpu.memory_space<hbm>>
    tpu.enqueue_dma source(%dma_start3A_87 : memref<8192xf32, #tpu.memory_space<hbm>>) target(%arg11 : memref<8192xf32, #tpu.memory_space<vmem>>) target_semaphore(%dma_start3A_84 : memref<!tpu.dma_semaphore, #tpu.memory_space<semaphore_mem>>)
    %scan3A = arith.constant 0 : i32
    %scan3A_88 = arith.constant 32 : i32
    %scan3A_89 = arith.addi %scan3A, %scan3A_88 : i32
    %scan3A_90 = arith.constant 1 : i32
    scf.for %scan3A_135 = %scan3A to %scan3A_89 step %scan3A_90  : i32 {
      %mul3A_136 = arith.constant 4 : i32
      %mul3A_137 = arith.muli %scan3A_135, %mul3A_136 : i32
      %add3A_138 = arith.constant 0 : i32
      %add3A_139 = arith.addi %add3A_138, %mul3A_137 : i32
      %add3A_140 = arith.constant 0 : i32
      %add3A_141 = arith.addi %add3A_139, %add3A_140 : i32
      %add3A_142 = arith.addi %mul3A_2, %add3A_141 : i32
      %dma_wait3A_143 = arith.constant 0 : i32
      %dma_wait3A_144 = arith.constant 0 : i32
      %dma_wait3A_145 = tpu.memref_slice %arg2[%add3A_142, %dma_wait3A_144] : memref<4096x8192xf32, #tpu.memory_space<hbm>> -> memref<1x8192xf32, #tpu.memory_space<hbm>>
      %dma_wait3A_146 = tpu.memref_squeeze %dma_wait3A_145 : memref<1x8192xf32, #tpu.memory_space<hbm>> -> memref<8192xf32, #tpu.memory_space<hbm>>
      %dma_wait3A_147 = tpu.memref_slice %arg16[%dma_wait3A_143] : memref<4x!tpu.dma_semaphore, #tpu.memory_space<semaphore_mem>> -> memref<1x!tpu.dma_semaphore, #tpu.memory_space<semaphore_mem>>
      %dma_wait3A_148 = tpu.memref_squeeze %dma_wait3A_147 : memref<1x!tpu.dma_semaphore, #tpu.memory_space<semaphore_mem>> -> memref<!tpu.dma_semaphore, #tpu.memory_space<semaphore_mem>>
      %dma_wait3A_149 = arith.constant 0 : i32
      %dma_wait3A_150 = tpu.memref_slice %arg2[%add3A_142, %dma_wait3A_149] : memref<4096x8192xf32, #tpu.memory_space<hbm>> -> memref<1x8192xf32, #tpu.memory_space<hbm>>
      %dma_wait3A_151 = tpu.memref_squeeze %dma_wait3A_150 : memref<1x8192xf32, #tpu.memory_space<hbm>> -> memref<8192xf32, #tpu.memory_space<hbm>>
      tpu.wait_dma2 semaphore(%dma_wait3A_148 : memref<!tpu.dma_semaphore, #tpu.memory_space<semaphore_mem>>) src(%dma_wait3A_151 : memref<8192xf32, #tpu.memory_space<hbm>>) dst(%arg8 : memref<8192xf32, #tpu.memory_space<vmem>>)
      %ge3A = arith.constant 4 : i32
      %ge3A_152 = arith.cmpi sge, %add3A_141, %ge3A : i32
      %convert_element_type3A = arith.extui %ge3A_152 : i1 to i32
      %cond3A = arith.constant 0 : i32
      %cond3A_153 = arith.cmpi ne, %convert_element_type3A, %cond3A : i32
      scf.if %cond3A_153 {
        %sub3A_300 = arith.constant 4 : i32
        %sub3A_301 = arith.subi %add3A_141, %sub3A_300 : i32
        %add3A_302 = arith.addi %mul3A_2, %sub3A_301 : i32
        %dma_wait3A_303 = arith.constant 0 : i32
        %dma_wait3A_304 = arith.constant 0 : i32
        %dma_wait3A_305 = tpu.memref_slice %arg5[%add3A_302, %dma_wait3A_304] : memref<4096x8192xf32, #tpu.memory_space<hbm>> -> memref<1x8192xf32, #tpu.memory_space<hbm>>
        %dma_wait3A_306 = tpu.memref_squeeze %dma_wait3A_305 : memref<1x8192xf32, #tpu.memory_space<hbm>> -> memref<8192xf32, #tpu.memory_space<hbm>>
        %dma_wait3A_307 = tpu.memref_slice %arg17[%dma_wait3A_303] : memref<4x!tpu.dma_semaphore, #tpu.memory_space<semaphore_mem>> -> memref<1x!tpu.dma_semaphore, #tpu.memory_space<semaphore_mem>>
        %dma_wait3A_308 = tpu.memref_squeeze %dma_wait3A_307 : memref<1x!tpu.dma_semaphore, #tpu.memory_space<semaphore_mem>> -> memref<!tpu.dma_semaphore, #tpu.memory_space<semaphore_mem>>
        %dma_wait3A_309 = arith.constant 0 : i32
        %dma_wait3A_310 = tpu.memref_slice %arg5[%add3A_302, %dma_wait3A_309] : memref<4096x8192xf32, #tpu.memory_space<hbm>> -> memref<1x8192xf32, #tpu.memory_space<hbm>>
        %dma_wait3A_311 = tpu.memref_squeeze %dma_wait3A_310 : memref<1x8192xf32, #tpu.memory_space<hbm>> -> memref<8192xf32, #tpu.memory_space<hbm>>
        tpu.wait_dma2 semaphore(%dma_wait3A_308 : memref<!tpu.dma_semaphore, #tpu.memory_space<semaphore_mem>>) src(%arg12 : memref<8192xf32, #tpu.memory_space<vmem>>) dst(%dma_wait3A_311 : memref<8192xf32, #tpu.memory_space<hbm>>)
      } else {
      }
      %mul3A_154 = arith.constant 16 : i32
      %mul3A_155 = arith.muli %add3A_141, %mul3A_154 : i32
      %sub3A_156 = vector.broadcast %mul3A_155 : i32 to vector<16xi32>
      %sub3A_157 = arith.subi %add3A_44, %sub3A_156 : vector<16xi32>
      %parallel_loop3A = arith.constant 0 : i32
      %parallel_loop3A_158 = arith.constant 512 : i32
      %parallel_loop3A_159 = arith.constant 1 : i32
      scf.for %parallel_loop3A_300 = %parallel_loop3A to %parallel_loop3A_158 step %parallel_loop3A_159  : i32 {
        %parallel_loop3A_301 = arith.constant 16 : i32
        %parallel_loop3A_302 = arith.muli %parallel_loop3A_300, %parallel_loop3A_301 : i32
        %parallel_loop3A_303 = vector.broadcast %parallel_loop3A_302 : i32 to vector<16xi32>
        %parallel_loop3A_304 = arith.addi %sub3A_157, %parallel_loop3A_303 : vector<16xi32>
        %parallel_loop3A_305 = tpu.vector_load_idx %arg6[%parallel_loop3A_304] : memref<32768xf32, #tpu.memory_space<vmem>>[vector<16xi32>], vector<16xf32>,
        %parallel_loop3A_306 = arith.index_cast %parallel_loop3A_302 : i32 to index
        %parallel_loop3A_307 = tpu.vector_load %arg8[%parallel_loop3A_306] {strides = array<i32>} : memref<8192xf32, #tpu.memory_space<vmem>>, vector<16xf32>,
        %parallel_loop3A_308 = arith.addf %parallel_loop3A_307, %parallel_loop3A_305 : vector<16xf32>
        %parallel_loop3A_309 = arith.index_cast %parallel_loop3A_302 : i32 to index
        %parallel_loop3A_310 = tpu.vector_load %arg12[%parallel_loop3A_309] {strides = array<i32>} : memref<8192xf32, #tpu.memory_space<vmem>>, vector<16xf32>,
        tpu.vector_store %arg12[%parallel_loop3A_309], %parallel_loop3A_308 {strides = array<i32>} : memref<8192xf32, #tpu.memory_space<vmem>>, vector<16xf32>,
      } {sc.loop_unroll_factor = 8 : i64, sc.parallel_access}
      %add3A_160 = arith.addi %mul3A_2, %add3A_141 : i32
      %dma_start3A_161 = arith.constant 0 : i32
      %dma_start3A_162 = arith.constant 0 : i32
      %dma_start3A_163 = tpu.memref_slice %arg5[%add3A_160, %dma_start3A_162] : memref<4096x8192xf32, #tpu.memory_space<hbm>> -> memref<1x8192xf32, #tpu.memory_space<hbm>>
      %dma_start3A_164 = tpu.memref_squeeze %dma_start3A_163 : memref<1x8192xf32, #tpu.memory_space<hbm>> -> memref<8192xf32, #tpu.memory_space<hbm>>
      %dma_start3A_165 = tpu.memref_slice %arg17[%dma_start3A_161] : memref<4x!tpu.dma_semaphore, #tpu.memory_space<semaphore_mem>> -> memref<1x!tpu.dma_semaphore, #tpu.memory_space<semaphore_mem>>
      %dma_start3A_166 = tpu.memref_squeeze %dma_start3A_165 : memref<1x!tpu.dma_semaphore, #tpu.memory_space<semaphore_mem>> -> memref<!tpu.dma_semaphore, #tpu.memory_space<semaphore_mem>>
      %dma_start3A_167 = arith.constant 0 : i32
      %dma_start3A_168 = tpu.memref_slice %arg5[%add3A_160, %dma_start3A_167] : memref<4096x8192xf32, #tpu.memory_space<hbm>> -> memref<1x8192xf32, #tpu.memory_space<hbm>>
      %dma_start3A_169 = tpu.memref_squeeze %dma_start3A_168 : memref<1x8192xf32, #tpu.memory_space<hbm>> -> memref<8192xf32, #tpu.memory_space<hbm>>
      tpu.enqueue_dma source(%arg12 : memref<8192xf32, #tpu.memory_space<vmem>>) target(%dma_start3A_169 : memref<8192xf32, #tpu.memory_space<hbm>>) target_semaphore(%dma_start3A_166 : memref<!tpu.dma_semaphore, #tpu.memory_space<semaphore_mem>>)
      %add3A_170 = arith.constant 4 : i32
      %add3A_171 = arith.addi %add3A_141, %add3A_170 : i32
      %lt3A_172 = arith.constant 128 : i32
      %lt3A_173 = arith.cmpi slt, %add3A_171, %lt3A_172 : i32
      %convert_element_type3A_174 = arith.extui %lt3A_173 : i1 to i32
      %cond3A_175 = arith.constant 0 : i32
      %cond3A_176 = arith.cmpi ne, %convert_element_type3A_174, %cond3A_175 : i32
      scf.if %cond3A_176 {
        %add3A_300 = arith.constant 4 : i32
        %add3A_301 = arith.addi %add3A_141, %add3A_300 : i32
        %add3A_302 = arith.addi %mul3A_2, %add3A_301 : i32
        %dma_start3A_303 = arith.constant 0 : i32
        %dma_start3A_304 = arith.constant 0 : i32
        %dma_start3A_305 = tpu.memref_slice %arg2[%add3A_302, %dma_start3A_304] : memref<4096x8192xf32, #tpu.memory_space<hbm>> -> memref<1x8192xf32, #tpu.memory_space<hbm>>
        %dma_start3A_306 = tpu.memref_squeeze %dma_start3A_305 : memref<1x8192xf32, #tpu.memory_space<hbm>> -> memref<8192xf32, #tpu.memory_space<hbm>>
        %dma_start3A_307 = tpu.memref_slice %arg16[%dma_start3A_303] : memref<4x!tpu.dma_semaphore, #tpu.memory_space<semaphore_mem>> -> memref<1x!tpu.dma_semaphore, #tpu.memory_space<semaphore_mem>>
        %dma_start3A_308 = tpu.memref_squeeze %dma_start3A_307 : memref<1x!tpu.dma_semaphore, #tpu.memory_space<semaphore_mem>> -> memref<!tpu.dma_semaphore, #tpu.memory_space<semaphore_mem>>
        %dma_start3A_309 = arith.constant 0 : i32
        %dma_start3A_310 = tpu.memref_slice %arg2[%add3A_302, %dma_start3A_309] : memref<4096x8192xf32, #tpu.memory_space<hbm>> -> memref<1x8192xf32, #tpu.memory_space<hbm>>
        %dma_start3A_311 = tpu.memref_squeeze %dma_start3A_310 : memref<1x8192xf32, #tpu.memory_space<hbm>> -> memref<8192xf32, #tpu.memory_space<hbm>>
        tpu.enqueue_dma source(%dma_start3A_311 : memref<8192xf32, #tpu.memory_space<hbm>>) target(%arg8 : memref<8192xf32, #tpu.memory_space<vmem>>) target_semaphore(%dma_start3A_308 : memref<!tpu.dma_semaphore, #tpu.memory_space<semaphore_mem>>)
      } else {
      }
      %add3A_177 = arith.constant 1 : i32
      %add3A_178 = arith.addi %add3A_139, %add3A_177 : i32
      %add3A_179 = arith.addi %mul3A_2, %add3A_178 : i32
      %dma_wait3A_180 = arith.constant 1 : i32
      %dma_wait3A_181 = arith.constant 0 : i32
      %dma_wait3A_182 = tpu.memref_slice %arg2[%add3A_179, %dma_wait3A_181] : memref<4096x8192xf32, #tpu.memory_space<hbm>> -> memref<1x8192xf32, #tpu.memory_space<hbm>>
      %dma_wait3A_183 = tpu.memref_squeeze %dma_wait3A_182 : memref<1x8192xf32, #tpu.memory_space<hbm>> -> memref<8192xf32, #tpu.memory_space<hbm>>
      %dma_wait3A_184 = tpu.memref_slice %arg16[%dma_wait3A_180] : memref<4x!tpu.dma_semaphore, #tpu.memory_space<semaphore_mem>> -> memref<1x!tpu.dma_semaphore, #tpu.memory_space<semaphore_mem>>
      %dma_wait3A_185 = tpu.memref_squeeze %dma_wait3A_184 : memref<1x!tpu.dma_semaphore, #tpu.memory_space<semaphore_mem>> -> memref<!tpu.dma_semaphore, #tpu.memory_space<semaphore_mem>>
      %dma_wait3A_186 = arith.constant 0 : i32
      %dma_wait3A_187 = tpu.memref_slice %arg2[%add3A_179, %dma_wait3A_186] : memref<4096x8192xf32, #tpu.memory_space<hbm>> -> memref<1x8192xf32, #tpu.memory_space<hbm>>
      %dma_wait3A_188 = tpu.memref_squeeze %dma_wait3A_187 : memref<1x8192xf32, #tpu.memory_space<hbm>> -> memref<8192xf32, #tpu.memory_space<hbm>>
      tpu.wait_dma2 semaphore(%dma_wait3A_185 : memref<!tpu.dma_semaphore, #tpu.memory_space<semaphore_mem>>) src(%dma_wait3A_188 : memref<8192xf32, #tpu.memory_space<hbm>>) dst(%arg9 : memref<8192xf32, #tpu.memory_space<vmem>>)
      %ge3A_189 = arith.constant 4 : i32
      %ge3A_190 = arith.cmpi sge, %add3A_178, %ge3A_189 : i32
      %convert_element_type3A_191 = arith.extui %ge3A_190 : i1 to i32
      %cond3A_192 = arith.constant 0 : i32
      %cond3A_193 = arith.cmpi ne, %convert_element_type3A_191, %cond3A_192 : i32
      scf.if %cond3A_193 {
        %sub3A_300 = arith.constant 4 : i32
        %sub3A_301 = arith.subi %add3A_178, %sub3A_300 : i32
        %add3A_302 = arith.addi %mul3A_2, %sub3A_301 : i32
        %dma_wait3A_303 = arith.constant 1 : i32
        %dma_wait3A_304 = arith.constant 0 : i32
        %dma_wait3A_305 = tpu.memref_slice %arg5[%add3A_302, %dma_wait3A_304] : memref<4096x8192xf32, #tpu.memory_space<hbm>> -> memref<1x8192xf32, #tpu.memory_space<hbm>>
        %dma_wait3A_306 = tpu.memref_squeeze %dma_wait3A_305 : memref<1x8192xf32, #tpu.memory_space<hbm>> -> memref<8192xf32, #tpu.memory_space<hbm>>
        %dma_wait3A_307 = tpu.memref_slice %arg17[%dma_wait3A_303] : memref<4x!tpu.dma_semaphore, #tpu.memory_space<semaphore_mem>> -> memref<1x!tpu.dma_semaphore, #tpu.memory_space<semaphore_mem>>
        %dma_wait3A_308 = tpu.memref_squeeze %dma_wait3A_307 : memref<1x!tpu.dma_semaphore, #tpu.memory_space<semaphore_mem>> -> memref<!tpu.dma_semaphore, #tpu.memory_space<semaphore_mem>>
        %dma_wait3A_309 = arith.constant 0 : i32
        %dma_wait3A_310 = tpu.memref_slice %arg5[%add3A_302, %dma_wait3A_309] : memref<4096x8192xf32, #tpu.memory_space<hbm>> -> memref<1x8192xf32, #tpu.memory_space<hbm>>
        %dma_wait3A_311 = tpu.memref_squeeze %dma_wait3A_310 : memref<1x8192xf32, #tpu.memory_space<hbm>> -> memref<8192xf32, #tpu.memory_space<hbm>>
        tpu.wait_dma2 semaphore(%dma_wait3A_308 : memref<!tpu.dma_semaphore, #tpu.memory_space<semaphore_mem>>) src(%arg13 : memref<8192xf32, #tpu.memory_space<vmem>>) dst(%dma_wait3A_311 : memref<8192xf32, #tpu.memory_space<hbm>>)
      } else {
      }
      %mul3A_194 = arith.constant 16 : i32
      %mul3A_195 = arith.muli %add3A_178, %mul3A_194 : i32
      %sub3A_196 = vector.broadcast %mul3A_195 : i32 to vector<16xi32>
      %sub3A_197 = arith.subi %add3A_44, %sub3A_196 : vector<16xi32>
      %parallel_loop3A_198 = arith.constant 0 : i32
      %parallel_loop3A_199 = arith.constant 512 : i32
      %parallel_loop3A_200 = arith.constant 1 : i32
      scf.for %parallel_loop3A_300 = %parallel_loop3A_198 to %parallel_loop3A_199 step %parallel_loop3A_200  : i32 {
        %parallel_loop3A_301 = arith.constant 16 : i32
        %parallel_loop3A_302 = arith.muli %parallel_loop3A_300, %parallel_loop3A_301 : i32
        %parallel_loop3A_303 = vector.broadcast %parallel_loop3A_302 : i32 to vector<16xi32>
        %parallel_loop3A_304 = arith.addi %sub3A_197, %parallel_loop3A_303 : vector<16xi32>
        %parallel_loop3A_305 = tpu.vector_load_idx %arg6[%parallel_loop3A_304] : memref<32768xf32, #tpu.memory_space<vmem>>[vector<16xi32>], vector<16xf32>,
        %parallel_loop3A_306 = arith.index_cast %parallel_loop3A_302 : i32 to index
        %parallel_loop3A_307 = tpu.vector_load %arg9[%parallel_loop3A_306] {strides = array<i32>} : memref<8192xf32, #tpu.memory_space<vmem>>, vector<16xf32>,
        %parallel_loop3A_308 = arith.addf %parallel_loop3A_307, %parallel_loop3A_305 : vector<16xf32>
        %parallel_loop3A_309 = arith.index_cast %parallel_loop3A_302 : i32 to index
        %parallel_loop3A_310 = tpu.vector_load %arg13[%parallel_loop3A_309] {strides = array<i32>} : memref<8192xf32, #tpu.memory_space<vmem>>, vector<16xf32>,
        tpu.vector_store %arg13[%parallel_loop3A_309], %parallel_loop3A_308 {strides = array<i32>} : memref<8192xf32, #tpu.memory_space<vmem>>, vector<16xf32>,
      } {sc.loop_unroll_factor = 8 : i64, sc.parallel_access}
      %add3A_201 = arith.addi %mul3A_2, %add3A_178 : i32
      %dma_start3A_202 = arith.constant 1 : i32
      %dma_start3A_203 = arith.constant 0 : i32
      %dma_start3A_204 = tpu.memref_slice %arg5[%add3A_201, %dma_start3A_203] : memref<4096x8192xf32, #tpu.memory_space<hbm>> -> memref<1x8192xf32, #tpu.memory_space<hbm>>
      %dma_start3A_205 = tpu.memref_squeeze %dma_start3A_204 : memref<1x8192xf32, #tpu.memory_space<hbm>> -> memref<8192xf32, #tpu.memory_space<hbm>>
      %dma_start3A_206 = tpu.memref_slice %arg17[%dma_start3A_202] : memref<4x!tpu.dma_semaphore, #tpu.memory_space<semaphore_mem>> -> memref<1x!tpu.dma_semaphore, #tpu.memory_space<semaphore_mem>>
      %dma_start3A_207 = tpu.memref_squeeze %dma_start3A_206 : memref<1x!tpu.dma_semaphore, #tpu.memory_space<semaphore_mem>> -> memref<!tpu.dma_semaphore, #tpu.memory_space<semaphore_mem>>
      %dma_start3A_208 = arith.constant 0 : i32
      %dma_start3A_209 = tpu.memref_slice %arg5[%add3A_201, %dma_start3A_208] : memref<4096x8192xf32, #tpu.memory_space<hbm>> -> memref<1x8192xf32, #tpu.memory_space<hbm>>
      %dma_start3A_210 = tpu.memref_squeeze %dma_start3A_209 : memref<1x8192xf32, #tpu.memory_space<hbm>> -> memref<8192xf32, #tpu.memory_space<hbm>>
      tpu.enqueue_dma source(%arg13 : memref<8192xf32, #tpu.memory_space<vmem>>) target(%dma_start3A_210 : memref<8192xf32, #tpu.memory_space<hbm>>) target_semaphore(%dma_start3A_207 : memref<!tpu.dma_semaphore, #tpu.memory_space<semaphore_mem>>)
      %add3A_211 = arith.constant 4 : i32
      %add3A_212 = arith.addi %add3A_178, %add3A_211 : i32
      %lt3A_213 = arith.constant 128 : i32
      %lt3A_214 = arith.cmpi slt, %add3A_212, %lt3A_213 : i32
      %convert_element_type3A_215 = arith.extui %lt3A_214 : i1 to i32
      %cond3A_216 = arith.constant 0 : i32
      %cond3A_217 = arith.cmpi ne, %convert_element_type3A_215, %cond3A_216 : i32
      scf.if %cond3A_217 {
        %add3A_300 = arith.constant 4 : i32
        %add3A_301 = arith.addi %add3A_178, %add3A_300 : i32
        %add3A_302 = arith.addi %mul3A_2, %add3A_301 : i32
        %dma_start3A_303 = arith.constant 1 : i32
        %dma_start3A_304 = arith.constant 0 : i32
        %dma_start3A_305 = tpu.memref_slice %arg2[%add3A_302, %dma_start3A_304] : memref<4096x8192xf32, #tpu.memory_space<hbm>> -> memref<1x8192xf32, #tpu.memory_space<hbm>>
        %dma_start3A_306 = tpu.memref_squeeze %dma_start3A_305 : memref<1x8192xf32, #tpu.memory_space<hbm>> -> memref<8192xf32, #tpu.memory_space<hbm>>
        %dma_start3A_307 = tpu.memref_slice %arg16[%dma_start3A_303] : memref<4x!tpu.dma_semaphore, #tpu.memory_space<semaphore_mem>> -> memref<1x!tpu.dma_semaphore, #tpu.memory_space<semaphore_mem>>
        %dma_start3A_308 = tpu.memref_squeeze %dma_start3A_307 : memref<1x!tpu.dma_semaphore, #tpu.memory_space<semaphore_mem>> -> memref<!tpu.dma_semaphore, #tpu.memory_space<semaphore_mem>>
        %dma_start3A_309 = arith.constant 0 : i32
        %dma_start3A_310 = tpu.memref_slice %arg2[%add3A_302, %dma_start3A_309] : memref<4096x8192xf32, #tpu.memory_space<hbm>> -> memref<1x8192xf32, #tpu.memory_space<hbm>>
        %dma_start3A_311 = tpu.memref_squeeze %dma_start3A_310 : memref<1x8192xf32, #tpu.memory_space<hbm>> -> memref<8192xf32, #tpu.memory_space<hbm>>
        tpu.enqueue_dma source(%dma_start3A_311 : memref<8192xf32, #tpu.memory_space<hbm>>) target(%arg9 : memref<8192xf32, #tpu.memory_space<vmem>>) target_semaphore(%dma_start3A_308 : memref<!tpu.dma_semaphore, #tpu.memory_space<semaphore_mem>>)
      } else {
      }
      %add3A_218 = arith.constant 2 : i32
      %add3A_219 = arith.addi %add3A_139, %add3A_218 : i32
      %add3A_220 = arith.addi %mul3A_2, %add3A_219 : i32
      %dma_wait3A_221 = arith.constant 2 : i32
      %dma_wait3A_222 = arith.constant 0 : i32
      %dma_wait3A_223 = tpu.memref_slice %arg2[%add3A_220, %dma_wait3A_222] : memref<4096x8192xf32, #tpu.memory_space<hbm>> -> memref<1x8192xf32, #tpu.memory_space<hbm>>
      %dma_wait3A_224 = tpu.memref_squeeze %dma_wait3A_223 : memref<1x8192xf32, #tpu.memory_space<hbm>> -> memref<8192xf32, #tpu.memory_space<hbm>>
      %dma_wait3A_225 = tpu.memref_slice %arg16[%dma_wait3A_221] : memref<4x!tpu.dma_semaphore, #tpu.memory_space<semaphore_mem>> -> memref<1x!tpu.dma_semaphore, #tpu.memory_space<semaphore_mem>>
      %dma_wait3A_226 = tpu.memref_squeeze %dma_wait3A_225 : memref<1x!tpu.dma_semaphore, #tpu.memory_space<semaphore_mem>> -> memref<!tpu.dma_semaphore, #tpu.memory_space<semaphore_mem>>
      %dma_wait3A_227 = arith.constant 0 : i32
      %dma_wait3A_228 = tpu.memref_slice %arg2[%add3A_220, %dma_wait3A_227] : memref<4096x8192xf32, #tpu.memory_space<hbm>> -> memref<1x8192xf32, #tpu.memory_space<hbm>>
      %dma_wait3A_229 = tpu.memref_squeeze %dma_wait3A_228 : memref<1x8192xf32, #tpu.memory_space<hbm>> -> memref<8192xf32, #tpu.memory_space<hbm>>
      tpu.wait_dma2 semaphore(%dma_wait3A_226 : memref<!tpu.dma_semaphore, #tpu.memory_space<semaphore_mem>>) src(%dma_wait3A_229 : memref<8192xf32, #tpu.memory_space<hbm>>) dst(%arg10 : memref<8192xf32, #tpu.memory_space<vmem>>)
      %ge3A_230 = arith.constant 4 : i32
      %ge3A_231 = arith.cmpi sge, %add3A_219, %ge3A_230 : i32
      %convert_element_type3A_232 = arith.extui %ge3A_231 : i1 to i32
      %cond3A_233 = arith.constant 0 : i32
      %cond3A_234 = arith.cmpi ne, %convert_element_type3A_232, %cond3A_233 : i32
      scf.if %cond3A_234 {
        %sub3A_300 = arith.constant 4 : i32
        %sub3A_301 = arith.subi %add3A_219, %sub3A_300 : i32
        %add3A_302 = arith.addi %mul3A_2, %sub3A_301 : i32
        %dma_wait3A_303 = arith.constant 2 : i32
        %dma_wait3A_304 = arith.constant 0 : i32
        %dma_wait3A_305 = tpu.memref_slice %arg5[%add3A_302, %dma_wait3A_304] : memref<4096x8192xf32, #tpu.memory_space<hbm>> -> memref<1x8192xf32, #tpu.memory_space<hbm>>
        %dma_wait3A_306 = tpu.memref_squeeze %dma_wait3A_305 : memref<1x8192xf32, #tpu.memory_space<hbm>> -> memref<8192xf32, #tpu.memory_space<hbm>>
        %dma_wait3A_307 = tpu.memref_slice %arg17[%dma_wait3A_303] : memref<4x!tpu.dma_semaphore, #tpu.memory_space<semaphore_mem>> -> memref<1x!tpu.dma_semaphore, #tpu.memory_space<semaphore_mem>>
        %dma_wait3A_308 = tpu.memref_squeeze %dma_wait3A_307 : memref<1x!tpu.dma_semaphore, #tpu.memory_space<semaphore_mem>> -> memref<!tpu.dma_semaphore, #tpu.memory_space<semaphore_mem>>
        %dma_wait3A_309 = arith.constant 0 : i32
        %dma_wait3A_310 = tpu.memref_slice %arg5[%add3A_302, %dma_wait3A_309] : memref<4096x8192xf32, #tpu.memory_space<hbm>> -> memref<1x8192xf32, #tpu.memory_space<hbm>>
        %dma_wait3A_311 = tpu.memref_squeeze %dma_wait3A_310 : memref<1x8192xf32, #tpu.memory_space<hbm>> -> memref<8192xf32, #tpu.memory_space<hbm>>
        tpu.wait_dma2 semaphore(%dma_wait3A_308 : memref<!tpu.dma_semaphore, #tpu.memory_space<semaphore_mem>>) src(%arg14 : memref<8192xf32, #tpu.memory_space<vmem>>) dst(%dma_wait3A_311 : memref<8192xf32, #tpu.memory_space<hbm>>)
      } else {
      }
      %mul3A_235 = arith.constant 16 : i32
      %mul3A_236 = arith.muli %add3A_219, %mul3A_235 : i32
      %sub3A_237 = vector.broadcast %mul3A_236 : i32 to vector<16xi32>
      %sub3A_238 = arith.subi %add3A_44, %sub3A_237 : vector<16xi32>
      %parallel_loop3A_239 = arith.constant 0 : i32
      %parallel_loop3A_240 = arith.constant 512 : i32
      %parallel_loop3A_241 = arith.constant 1 : i32
      scf.for %parallel_loop3A_300 = %parallel_loop3A_239 to %parallel_loop3A_240 step %parallel_loop3A_241  : i32 {
        %parallel_loop3A_301 = arith.constant 16 : i32
        %parallel_loop3A_302 = arith.muli %parallel_loop3A_300, %parallel_loop3A_301 : i32
        %parallel_loop3A_303 = vector.broadcast %parallel_loop3A_302 : i32 to vector<16xi32>
        %parallel_loop3A_304 = arith.addi %sub3A_238, %parallel_loop3A_303 : vector<16xi32>
        %parallel_loop3A_305 = tpu.vector_load_idx %arg6[%parallel_loop3A_304] : memref<32768xf32, #tpu.memory_space<vmem>>[vector<16xi32>], vector<16xf32>,
        %parallel_loop3A_306 = arith.index_cast %parallel_loop3A_302 : i32 to index
        %parallel_loop3A_307 = tpu.vector_load %arg10[%parallel_loop3A_306] {strides = array<i32>} : memref<8192xf32, #tpu.memory_space<vmem>>, vector<16xf32>,
        %parallel_loop3A_308 = arith.addf %parallel_loop3A_307, %parallel_loop3A_305 : vector<16xf32>
        %parallel_loop3A_309 = arith.index_cast %parallel_loop3A_302 : i32 to index
        %parallel_loop3A_310 = tpu.vector_load %arg14[%parallel_loop3A_309] {strides = array<i32>} : memref<8192xf32, #tpu.memory_space<vmem>>, vector<16xf32>,
        tpu.vector_store %arg14[%parallel_loop3A_309], %parallel_loop3A_308 {strides = array<i32>} : memref<8192xf32, #tpu.memory_space<vmem>>, vector<16xf32>,
      } {sc.loop_unroll_factor = 8 : i64, sc.parallel_access}
      %add3A_242 = arith.addi %mul3A_2, %add3A_219 : i32
      %dma_start3A_243 = arith.constant 2 : i32
      %dma_start3A_244 = arith.constant 0 : i32
      %dma_start3A_245 = tpu.memref_slice %arg5[%add3A_242, %dma_start3A_244] : memref<4096x8192xf32, #tpu.memory_space<hbm>> -> memref<1x8192xf32, #tpu.memory_space<hbm>>
      %dma_start3A_246 = tpu.memref_squeeze %dma_start3A_245 : memref<1x8192xf32, #tpu.memory_space<hbm>> -> memref<8192xf32, #tpu.memory_space<hbm>>
      %dma_start3A_247 = tpu.memref_slice %arg17[%dma_start3A_243] : memref<4x!tpu.dma_semaphore, #tpu.memory_space<semaphore_mem>> -> memref<1x!tpu.dma_semaphore, #tpu.memory_space<semaphore_mem>>
      %dma_start3A_248 = tpu.memref_squeeze %dma_start3A_247 : memref<1x!tpu.dma_semaphore, #tpu.memory_space<semaphore_mem>> -> memref<!tpu.dma_semaphore, #tpu.memory_space<semaphore_mem>>
      %dma_start3A_249 = arith.constant 0 : i32
      %dma_start3A_250 = tpu.memref_slice %arg5[%add3A_242, %dma_start3A_249] : memref<4096x8192xf32, #tpu.memory_space<hbm>> -> memref<1x8192xf32, #tpu.memory_space<hbm>>
      %dma_start3A_251 = tpu.memref_squeeze %dma_start3A_250 : memref<1x8192xf32, #tpu.memory_space<hbm>> -> memref<8192xf32, #tpu.memory_space<hbm>>
      tpu.enqueue_dma source(%arg14 : memref<8192xf32, #tpu.memory_space<vmem>>) target(%dma_start3A_251 : memref<8192xf32, #tpu.memory_space<hbm>>) target_semaphore(%dma_start3A_248 : memref<!tpu.dma_semaphore, #tpu.memory_space<semaphore_mem>>)
      %add3A_252 = arith.constant 4 : i32
      %add3A_253 = arith.addi %add3A_219, %add3A_252 : i32
      %lt3A_254 = arith.constant 128 : i32
      %lt3A_255 = arith.cmpi slt, %add3A_253, %lt3A_254 : i32
      %convert_element_type3A_256 = arith.extui %lt3A_255 : i1 to i32
      %cond3A_257 = arith.constant 0 : i32
      %cond3A_258 = arith.cmpi ne, %convert_element_type3A_256, %cond3A_257 : i32
      scf.if %cond3A_258 {
        %add3A_300 = arith.constant 4 : i32
        %add3A_301 = arith.addi %add3A_219, %add3A_300 : i32
        %add3A_302 = arith.addi %mul3A_2, %add3A_301 : i32
        %dma_start3A_303 = arith.constant 2 : i32
        %dma_start3A_304 = arith.constant 0 : i32
        %dma_start3A_305 = tpu.memref_slice %arg2[%add3A_302, %dma_start3A_304] : memref<4096x8192xf32, #tpu.memory_space<hbm>> -> memref<1x8192xf32, #tpu.memory_space<hbm>>
        %dma_start3A_306 = tpu.memref_squeeze %dma_start3A_305 : memref<1x8192xf32, #tpu.memory_space<hbm>> -> memref<8192xf32, #tpu.memory_space<hbm>>
        %dma_start3A_307 = tpu.memref_slice %arg16[%dma_start3A_303] : memref<4x!tpu.dma_semaphore, #tpu.memory_space<semaphore_mem>> -> memref<1x!tpu.dma_semaphore, #tpu.memory_space<semaphore_mem>>
        %dma_start3A_308 = tpu.memref_squeeze %dma_start3A_307 : memref<1x!tpu.dma_semaphore, #tpu.memory_space<semaphore_mem>> -> memref<!tpu.dma_semaphore, #tpu.memory_space<semaphore_mem>>
        %dma_start3A_309 = arith.constant 0 : i32
        %dma_start3A_310 = tpu.memref_slice %arg2[%add3A_302, %dma_start3A_309] : memref<4096x8192xf32, #tpu.memory_space<hbm>> -> memref<1x8192xf32, #tpu.memory_space<hbm>>
        %dma_start3A_311 = tpu.memref_squeeze %dma_start3A_310 : memref<1x8192xf32, #tpu.memory_space<hbm>> -> memref<8192xf32, #tpu.memory_space<hbm>>
        tpu.enqueue_dma source(%dma_start3A_311 : memref<8192xf32, #tpu.memory_space<hbm>>) target(%arg10 : memref<8192xf32, #tpu.memory_space<vmem>>) target_semaphore(%dma_start3A_308 : memref<!tpu.dma_semaphore, #tpu.memory_space<semaphore_mem>>)
      } else {
      }
      %add3A_259 = arith.constant 3 : i32
      %add3A_260 = arith.addi %add3A_139, %add3A_259 : i32
      %add3A_261 = arith.addi %mul3A_2, %add3A_260 : i32
      %dma_wait3A_262 = arith.constant 3 : i32
      %dma_wait3A_263 = arith.constant 0 : i32
      %dma_wait3A_264 = tpu.memref_slice %arg2[%add3A_261, %dma_wait3A_263] : memref<4096x8192xf32, #tpu.memory_space<hbm>> -> memref<1x8192xf32, #tpu.memory_space<hbm>>
      %dma_wait3A_265 = tpu.memref_squeeze %dma_wait3A_264 : memref<1x8192xf32, #tpu.memory_space<hbm>> -> memref<8192xf32, #tpu.memory_space<hbm>>
      %dma_wait3A_266 = tpu.memref_slice %arg16[%dma_wait3A_262] : memref<4x!tpu.dma_semaphore, #tpu.memory_space<semaphore_mem>> -> memref<1x!tpu.dma_semaphore, #tpu.memory_space<semaphore_mem>>
      %dma_wait3A_267 = tpu.memref_squeeze %dma_wait3A_266 : memref<1x!tpu.dma_semaphore, #tpu.memory_space<semaphore_mem>> -> memref<!tpu.dma_semaphore, #tpu.memory_space<semaphore_mem>>
      %dma_wait3A_268 = arith.constant 0 : i32
      %dma_wait3A_269 = tpu.memref_slice %arg2[%add3A_261, %dma_wait3A_268] : memref<4096x8192xf32, #tpu.memory_space<hbm>> -> memref<1x8192xf32, #tpu.memory_space<hbm>>
      %dma_wait3A_270 = tpu.memref_squeeze %dma_wait3A_269 : memref<1x8192xf32, #tpu.memory_space<hbm>> -> memref<8192xf32, #tpu.memory_space<hbm>>
      tpu.wait_dma2 semaphore(%dma_wait3A_267 : memref<!tpu.dma_semaphore, #tpu.memory_space<semaphore_mem>>) src(%dma_wait3A_270 : memref<8192xf32, #tpu.memory_space<hbm>>) dst(%arg11 : memref<8192xf32, #tpu.memory_space<vmem>>)
      %ge3A_271 = arith.constant 4 : i32
      %ge3A_272 = arith.cmpi sge, %add3A_260, %ge3A_271 : i32
      %convert_element_type3A_273 = arith.extui %ge3A_272 : i1 to i32
      %cond3A_274 = arith.constant 0 : i32
      %cond3A_275 = arith.cmpi ne, %convert_element_type3A_273, %cond3A_274 : i32
      scf.if %cond3A_275 {
        %sub3A_300 = arith.constant 4 : i32
        %sub3A_301 = arith.subi %add3A_260, %sub3A_300 : i32
        %add3A_302 = arith.addi %mul3A_2, %sub3A_301 : i32
        %dma_wait3A_303 = arith.constant 3 : i32
        %dma_wait3A_304 = arith.constant 0 : i32
        %dma_wait3A_305 = tpu.memref_slice %arg5[%add3A_302, %dma_wait3A_304] : memref<4096x8192xf32, #tpu.memory_space<hbm>> -> memref<1x8192xf32, #tpu.memory_space<hbm>>
        %dma_wait3A_306 = tpu.memref_squeeze %dma_wait3A_305 : memref<1x8192xf32, #tpu.memory_space<hbm>> -> memref<8192xf32, #tpu.memory_space<hbm>>
        %dma_wait3A_307 = tpu.memref_slice %arg17[%dma_wait3A_303] : memref<4x!tpu.dma_semaphore, #tpu.memory_space<semaphore_mem>> -> memref<1x!tpu.dma_semaphore, #tpu.memory_space<semaphore_mem>>
        %dma_wait3A_308 = tpu.memref_squeeze %dma_wait3A_307 : memref<1x!tpu.dma_semaphore, #tpu.memory_space<semaphore_mem>> -> memref<!tpu.dma_semaphore, #tpu.memory_space<semaphore_mem>>
        %dma_wait3A_309 = arith.constant 0 : i32
        %dma_wait3A_310 = tpu.memref_slice %arg5[%add3A_302, %dma_wait3A_309] : memref<4096x8192xf32, #tpu.memory_space<hbm>> -> memref<1x8192xf32, #tpu.memory_space<hbm>>
        %dma_wait3A_311 = tpu.memref_squeeze %dma_wait3A_310 : memref<1x8192xf32, #tpu.memory_space<hbm>> -> memref<8192xf32, #tpu.memory_space<hbm>>
        tpu.wait_dma2 semaphore(%dma_wait3A_308 : memref<!tpu.dma_semaphore, #tpu.memory_space<semaphore_mem>>) src(%arg15 : memref<8192xf32, #tpu.memory_space<vmem>>) dst(%dma_wait3A_311 : memref<8192xf32, #tpu.memory_space<hbm>>)
      } else {
      }
      %mul3A_276 = arith.constant 16 : i32
      %mul3A_277 = arith.muli %add3A_260, %mul3A_276 : i32
      %sub3A_278 = vector.broadcast %mul3A_277 : i32 to vector<16xi32>
      %sub3A_279 = arith.subi %add3A_44, %sub3A_278 : vector<16xi32>
      %parallel_loop3A_280 = arith.constant 0 : i32
      %parallel_loop3A_281 = arith.constant 512 : i32
      %parallel_loop3A_282 = arith.constant 1 : i32
      scf.for %parallel_loop3A_300 = %parallel_loop3A_280 to %parallel_loop3A_281 step %parallel_loop3A_282  : i32 {
        %parallel_loop3A_301 = arith.constant 16 : i32
        %parallel_loop3A_302 = arith.muli %parallel_loop3A_300, %parallel_loop3A_301 : i32
        %parallel_loop3A_303 = vector.broadcast %parallel_loop3A_302 : i32 to vector<16xi32>
        %parallel_loop3A_304 = arith.addi %sub3A_279, %parallel_loop3A_303 : vector<16xi32>
        %parallel_loop3A_305 = tpu.vector_load_idx %arg6[%parallel_loop3A_304] : memref<32768xf32, #tpu.memory_space<vmem>>[vector<16xi32>], vector<16xf32>,
        %parallel_loop3A_306 = arith.index_cast %parallel_loop3A_302 : i32 to index
        %parallel_loop3A_307 = tpu.vector_load %arg11[%parallel_loop3A_306] {strides = array<i32>} : memref<8192xf32, #tpu.memory_space<vmem>>, vector<16xf32>,
        %parallel_loop3A_308 = arith.addf %parallel_loop3A_307, %parallel_loop3A_305 : vector<16xf32>
        %parallel_loop3A_309 = arith.index_cast %parallel_loop3A_302 : i32 to index
        %parallel_loop3A_310 = tpu.vector_load %arg15[%parallel_loop3A_309] {strides = array<i32>} : memref<8192xf32, #tpu.memory_space<vmem>>, vector<16xf32>,
        tpu.vector_store %arg15[%parallel_loop3A_309], %parallel_loop3A_308 {strides = array<i32>} : memref<8192xf32, #tpu.memory_space<vmem>>, vector<16xf32>,
      } {sc.loop_unroll_factor = 8 : i64, sc.parallel_access}
      %add3A_283 = arith.addi %mul3A_2, %add3A_260 : i32
      %dma_start3A_284 = arith.constant 3 : i32
      %dma_start3A_285 = arith.constant 0 : i32
      %dma_start3A_286 = tpu.memref_slice %arg5[%add3A_283, %dma_start3A_285] : memref<4096x8192xf32, #tpu.memory_space<hbm>> -> memref<1x8192xf32, #tpu.memory_space<hbm>>
      %dma_start3A_287 = tpu.memref_squeeze %dma_start3A_286 : memref<1x8192xf32, #tpu.memory_space<hbm>> -> memref<8192xf32, #tpu.memory_space<hbm>>
      %dma_start3A_288 = tpu.memref_slice %arg17[%dma_start3A_284] : memref<4x!tpu.dma_semaphore, #tpu.memory_space<semaphore_mem>> -> memref<1x!tpu.dma_semaphore, #tpu.memory_space<semaphore_mem>>
      %dma_start3A_289 = tpu.memref_squeeze %dma_start3A_288 : memref<1x!tpu.dma_semaphore, #tpu.memory_space<semaphore_mem>> -> memref<!tpu.dma_semaphore, #tpu.memory_space<semaphore_mem>>
      %dma_start3A_290 = arith.constant 0 : i32
      %dma_start3A_291 = tpu.memref_slice %arg5[%add3A_283, %dma_start3A_290] : memref<4096x8192xf32, #tpu.memory_space<hbm>> -> memref<1x8192xf32, #tpu.memory_space<hbm>>
      %dma_start3A_292 = tpu.memref_squeeze %dma_start3A_291 : memref<1x8192xf32, #tpu.memory_space<hbm>> -> memref<8192xf32, #tpu.memory_space<hbm>>
      tpu.enqueue_dma source(%arg15 : memref<8192xf32, #tpu.memory_space<vmem>>) target(%dma_start3A_292 : memref<8192xf32, #tpu.memory_space<hbm>>) target_semaphore(%dma_start3A_289 : memref<!tpu.dma_semaphore, #tpu.memory_space<semaphore_mem>>)
      %add3A_293 = arith.constant 4 : i32
      %add3A_294 = arith.addi %add3A_260, %add3A_293 : i32
      %lt3A_295 = arith.constant 128 : i32
      %lt3A_296 = arith.cmpi slt, %add3A_294, %lt3A_295 : i32
      %convert_element_type3A_297 = arith.extui %lt3A_296 : i1 to i32
      %cond3A_298 = arith.constant 0 : i32
      %cond3A_299 = arith.cmpi ne, %convert_element_type3A_297, %cond3A_298 : i32
      scf.if %cond3A_299 {
        %add3A_300 = arith.constant 4 : i32
        %add3A_301 = arith.addi %add3A_260, %add3A_300 : i32
        %add3A_302 = arith.addi %mul3A_2, %add3A_301 : i32
        %dma_start3A_303 = arith.constant 3 : i32
        %dma_start3A_304 = arith.constant 0 : i32
        %dma_start3A_305 = tpu.memref_slice %arg2[%add3A_302, %dma_start3A_304] : memref<4096x8192xf32, #tpu.memory_space<hbm>> -> memref<1x8192xf32, #tpu.memory_space<hbm>>
        %dma_start3A_306 = tpu.memref_squeeze %dma_start3A_305 : memref<1x8192xf32, #tpu.memory_space<hbm>> -> memref<8192xf32, #tpu.memory_space<hbm>>
        %dma_start3A_307 = tpu.memref_slice %arg16[%dma_start3A_303] : memref<4x!tpu.dma_semaphore, #tpu.memory_space<semaphore_mem>> -> memref<1x!tpu.dma_semaphore, #tpu.memory_space<semaphore_mem>>
        %dma_start3A_308 = tpu.memref_squeeze %dma_start3A_307 : memref<1x!tpu.dma_semaphore, #tpu.memory_space<semaphore_mem>> -> memref<!tpu.dma_semaphore, #tpu.memory_space<semaphore_mem>>
        %dma_start3A_309 = arith.constant 0 : i32
        %dma_start3A_310 = tpu.memref_slice %arg2[%add3A_302, %dma_start3A_309] : memref<4096x8192xf32, #tpu.memory_space<hbm>> -> memref<1x8192xf32, #tpu.memory_space<hbm>>
        %dma_start3A_311 = tpu.memref_squeeze %dma_start3A_310 : memref<1x8192xf32, #tpu.memory_space<hbm>> -> memref<8192xf32, #tpu.memory_space<hbm>>
        tpu.enqueue_dma source(%dma_start3A_311 : memref<8192xf32, #tpu.memory_space<hbm>>) target(%arg11 : memref<8192xf32, #tpu.memory_space<vmem>>) target_semaphore(%dma_start3A_308 : memref<!tpu.dma_semaphore, #tpu.memory_space<semaphore_mem>>)
      } else {
      }
    }
    %scan3A_91 = arith.constant 32 : i32
    %add3A_92 = arith.constant 124 : i32
    %add3A_93 = arith.addi %mul3A_2, %add3A_92 : i32
    %dma_wait3A = arith.constant 0 : i32
    %dma_wait3A_94 = arith.constant 0 : i32
    %dma_wait3A_95 = tpu.memref_slice %arg5[%add3A_93, %dma_wait3A_94] : memref<4096x8192xf32, #tpu.memory_space<hbm>> -> memref<1x8192xf32, #tpu.memory_space<hbm>>
    %dma_wait3A_96 = tpu.memref_squeeze %dma_wait3A_95 : memref<1x8192xf32, #tpu.memory_space<hbm>> -> memref<8192xf32, #tpu.memory_space<hbm>>
    %dma_wait3A_97 = tpu.memref_slice %arg17[%dma_wait3A] : memref<4x!tpu.dma_semaphore, #tpu.memory_space<semaphore_mem>> -> memref<1x!tpu.dma_semaphore, #tpu.memory_space<semaphore_mem>>
    %dma_wait3A_98 = tpu.memref_squeeze %dma_wait3A_97 : memref<1x!tpu.dma_semaphore, #tpu.memory_space<semaphore_mem>> -> memref<!tpu.dma_semaphore, #tpu.memory_space<semaphore_mem>>
    %dma_wait3A_99 = arith.constant 0 : i32
    %dma_wait3A_100 = tpu.memref_slice %arg5[%add3A_93, %dma_wait3A_99] : memref<4096x8192xf32, #tpu.memory_space<hbm>> -> memref<1x8192xf32, #tpu.memory_space<hbm>>
    %dma_wait3A_101 = tpu.memref_squeeze %dma_wait3A_100 : memref<1x8192xf32, #tpu.memory_space<hbm>> -> memref<8192xf32, #tpu.memory_space<hbm>>
    tpu.wait_dma2 semaphore(%dma_wait3A_98 : memref<!tpu.dma_semaphore, #tpu.memory_space<semaphore_mem>>) src(%arg12 : memref<8192xf32, #tpu.memory_space<vmem>>) dst(%dma_wait3A_101 : memref<8192xf32, #tpu.memory_space<hbm>>)
    %add3A_102 = arith.constant 125 : i32
    %add3A_103 = arith.addi %mul3A_2, %add3A_102 : i32
    %dma_wait3A_104 = arith.constant 1 : i32
    %dma_wait3A_105 = arith.constant 0 : i32
    %dma_wait3A_106 = tpu.memref_slice %arg5[%add3A_103, %dma_wait3A_105] : memref<4096x8192xf32, #tpu.memory_space<hbm>> -> memref<1x8192xf32, #tpu.memory_space<hbm>>
    %dma_wait3A_107 = tpu.memref_squeeze %dma_wait3A_106 : memref<1x8192xf32, #tpu.memory_space<hbm>> -> memref<8192xf32, #tpu.memory_space<hbm>>
    %dma_wait3A_108 = tpu.memref_slice %arg17[%dma_wait3A_104] : memref<4x!tpu.dma_semaphore, #tpu.memory_space<semaphore_mem>> -> memref<1x!tpu.dma_semaphore, #tpu.memory_space<semaphore_mem>>
    %dma_wait3A_109 = tpu.memref_squeeze %dma_wait3A_108 : memref<1x!tpu.dma_semaphore, #tpu.memory_space<semaphore_mem>> -> memref<!tpu.dma_semaphore, #tpu.memory_space<semaphore_mem>>
    %dma_wait3A_110 = arith.constant 0 : i32
    %dma_wait3A_111 = tpu.memref_slice %arg5[%add3A_103, %dma_wait3A_110] : memref<4096x8192xf32, #tpu.memory_space<hbm>> -> memref<1x8192xf32, #tpu.memory_space<hbm>>
    %dma_wait3A_112 = tpu.memref_squeeze %dma_wait3A_111 : memref<1x8192xf32, #tpu.memory_space<hbm>> -> memref<8192xf32, #tpu.memory_space<hbm>>
    tpu.wait_dma2 semaphore(%dma_wait3A_109 : memref<!tpu.dma_semaphore, #tpu.memory_space<semaphore_mem>>) src(%arg13 : memref<8192xf32, #tpu.memory_space<vmem>>) dst(%dma_wait3A_112 : memref<8192xf32, #tpu.memory_space<hbm>>)
    %add3A_113 = arith.constant 126 : i32
    %add3A_114 = arith.addi %mul3A_2, %add3A_113 : i32
    %dma_wait3A_115 = arith.constant 2 : i32
    %dma_wait3A_116 = arith.constant 0 : i32
    %dma_wait3A_117 = tpu.memref_slice %arg5[%add3A_114, %dma_wait3A_116] : memref<4096x8192xf32, #tpu.memory_space<hbm>> -> memref<1x8192xf32, #tpu.memory_space<hbm>>
    %dma_wait3A_118 = tpu.memref_squeeze %dma_wait3A_117 : memref<1x8192xf32, #tpu.memory_space<hbm>> -> memref<8192xf32, #tpu.memory_space<hbm>>
    %dma_wait3A_119 = tpu.memref_slice %arg17[%dma_wait3A_115] : memref<4x!tpu.dma_semaphore, #tpu.memory_space<semaphore_mem>> -> memref<1x!tpu.dma_semaphore, #tpu.memory_space<semaphore_mem>>
    %dma_wait3A_120 = tpu.memref_squeeze %dma_wait3A_119 : memref<1x!tpu.dma_semaphore, #tpu.memory_space<semaphore_mem>> -> memref<!tpu.dma_semaphore, #tpu.memory_space<semaphore_mem>>
    %dma_wait3A_121 = arith.constant 0 : i32
    %dma_wait3A_122 = tpu.memref_slice %arg5[%add3A_114, %dma_wait3A_121] : memref<4096x8192xf32, #tpu.memory_space<hbm>> -> memref<1x8192xf32, #tpu.memory_space<hbm>>
    %dma_wait3A_123 = tpu.memref_squeeze %dma_wait3A_122 : memref<1x8192xf32, #tpu.memory_space<hbm>> -> memref<8192xf32, #tpu.memory_space<hbm>>
    tpu.wait_dma2 semaphore(%dma_wait3A_120 : memref<!tpu.dma_semaphore, #tpu.memory_space<semaphore_mem>>) src(%arg14 : memref<8192xf32, #tpu.memory_space<vmem>>) dst(%dma_wait3A_123 : memref<8192xf32, #tpu.memory_space<hbm>>)
    %add3A_124 = arith.constant 127 : i32
    %add3A_125 = arith.addi %mul3A_2, %add3A_124 : i32
    %dma_wait3A_126 = arith.constant 3 : i32
    %dma_wait3A_127 = arith.constant 0 : i32
    %dma_wait3A_128 = tpu.memref_slice %arg5[%add3A_125, %dma_wait3A_127] : memref<4096x8192xf32, #tpu.memory_space<hbm>> -> memref<1x8192xf32, #tpu.memory_space<hbm>>
    %dma_wait3A_129 = tpu.memref_squeeze %dma_wait3A_128 : memref<1x8192xf32, #tpu.memory_space<hbm>> -> memref<8192xf32, #tpu.memory_space<hbm>>
    %dma_wait3A_130 = tpu.memref_slice %arg17[%dma_wait3A_126] : memref<4x!tpu.dma_semaphore, #tpu.memory_space<semaphore_mem>> -> memref<1x!tpu.dma_semaphore, #tpu.memory_space<semaphore_mem>>
    %dma_wait3A_131 = tpu.memref_squeeze %dma_wait3A_130 : memref<1x!tpu.dma_semaphore, #tpu.memory_space<semaphore_mem>> -> memref<!tpu.dma_semaphore, #tpu.memory_space<semaphore_mem>>
    %dma_wait3A_132 = arith.constant 0 : i32
    %dma_wait3A_133 = tpu.memref_slice %arg5[%add3A_125, %dma_wait3A_132] : memref<4096x8192xf32, #tpu.memory_space<hbm>> -> memref<1x8192xf32, #tpu.memory_space<hbm>>
    %dma_wait3A_134 = tpu.memref_squeeze %dma_wait3A_133 : memref<1x8192xf32, #tpu.memory_space<hbm>> -> memref<8192xf32, #tpu.memory_space<hbm>>
    tpu.wait_dma2 semaphore(%dma_wait3A_131 : memref<!tpu.dma_semaphore, #tpu.memory_space<semaphore_mem>>) src(%arg15 : memref<8192xf32, #tpu.memory_space<vmem>>) dst(%dma_wait3A_134 : memref<8192xf32, #tpu.memory_space<hbm>>)
    return
  }
}

</mosaic_0001>

<sc_bundles>
// kernel: kernel.3.cloned.1.call-start
scs
__scs_entry_jumppad:
0x0: {  	(pc) =	sbr.rel $0x88, $3  }
0x1: {  	(tag) =	ssettag $0x0;
	lr =	simm.s32 $0x1  }
0x2: {  	[smem:$0x3F9D] =	sst lr;
	_ =	strace $0xD0000000  }
0x3: {  	_ = 	snop  }
0x4: {  	_ = 	snop  }
0x5: {  	_ = 	snop  }
0x6: {  	_ = 	snop  }
0x7: {  	_ = 	snop  }
__scs_overlays_trampoline_lowered:
0x8: {  	[smem:$0x3FAC] =	sst s0  }
0x9: {  	[smem:$0x3FAD] =	sst s1  }
0xa: {  	[smem:$0x3FAE] =	sst s2  }
0xb: {  	[smem:$0x3FAF] =	sst s3  }
0xc: {  	[smem:$0x3FB0] =	sst s4  }
0xd: {  	[smem:$0x3FB1] =	sst s5  }
0xe: {  	[smem:$0x3FB2] =	sst s6  }
0xf: {  	[smem:$0x3FB3] =	sst s7  }
0x10: {  	[smem:$0x3FB4] =	sst s8  }
0x11: {  	[smem:$0x3FB5] =	sst s9;
	s0 =	simm.s32 @!p0 $0x0  }
0x12: {  	s1 =	sld [smem:$0x3F9B];
	s0 =	simm.s32 @p0 $0x1  }
0x13: {  	[smem:$0x3FB6] =	sst s0;
	s0 =	simm.s32 @!p1 $0x0  }
0x14: {  	s2 =	sld [smem:$0x3F9A];
	s0 =	simm.s32 @p1 $0x1  }
0x15: {  	[smem:$0x3FB7] =	sst s0;
	s0 =	simm.s32 @!p2 $0x0  }
0x16: {  	s3 =	sld [smem:$0x3FDB];
	s0 =	simm.s32 @p2 $0x1  }
0x17: {  	s4 =	simm.s32 $0x1BF5;
	[smem:$0x3FB9] =	sst s0  }
0x18: {  	s0 =	sld [smem:$0x3F9C];
	_ =	swait.ge [sflag:s4], $0x0  }
0x19: {  	s7 =	sld [smem:$0x3F9D]  }
0x1a: {  	s8 =	sadd.s32 $0xFFFFE003, lr  }
0x1b: {  	s9 =	sadd.s32 $0xFFFFFEF7, lr;
	s5 =	simm.s32 $0xFFFFFFFF;
	p2 =	slt.u32 s8, $0xFFFFF086  }
0x1c: {  	p1 =	slt.u32 s9, $0xF7A;
	s5 =	simm.s32 @!p2 $0x0  }
0x1d: {  	s5 =	simm.s32 @p1 $0x1;
	p0 =	seq.s32 s7, s2  }
0x1e: {  	s7 =	smul.u32 @!p0 $0xF7A, s2;
	p2 =	seq.s32 @!p0 s5, $0x0  }
0x1f: {  	s9 =	smul.u32 $0xF7A, s1;
	s8 =	simm.s32 @!p0 $0x1BF5;
	p2 =	por !p2, p0  }
0x20: {  	[sflag:s8] =	ssyncset.s32 @!p0 $0xFFFFF086;
	s6 =	sadd.s32 @!p0 s3, s7;
	s7 =	simm.s32 @!p0 $0x108  }
0x21: {  	s3 =	sadd.s32 s3, s9;
	s6 =	sadd.s32 @!p0 $0x88, s6;
	s7 =	simm.s32 @p2 $0x1082  }
0x22: {  	[simem:s7], [sflag:s8] =	dma.local @!p0 [hbm:s6], $0xF7A  }
0x23: {  	s9 =	sor.u32 $0xD0000000, s2;
	s6 =	simm.s32 $0x108;
	_ =	swait.ge @!p0 [sflag:s8], $0x0  }
0x24: {  	s3 =	sadd.s32 $0x88, s3;
	s6 =	simm.s32 @!p1 $0x1082;
	[sflag:s4] =	ssyncset.s32 $0xFFFFF086  }
0x25: {  	[simem:s6], [sflag:s4] =	dma.local [hbm:s3], $0xF7A  }
0x26: {  	[smem:$0x3F9D] =	sst s1;
	(tag) =	ssettag s2;
	_ =	strace s9  }
0x27: {  	s1 =	sld [smem:$0x3FAD]  }
0x28: {  	s2 =	sld [smem:$0x3FAE]  }
0x29: {  	s4 =	sld [smem:$0x3FB0]  }
0x2a: {  	p0 =	seq.s32 s5, $0x0;
	s5 =	sld [smem:$0x3FB1]  }
0x2b: {  	s6 =	sld [smem:$0x3FB2]  }
0x2c: {  	s7 =	sld [smem:$0x3FB3]  }
0x2d: {  	s3 =	simm.s32 $0x108;
	s8 =	sld [smem:$0x3FB4]  }
0x2e: {  	s3 =	simm.s32 @!p0 $0x1082;
	s9 =	sld [smem:$0x3FB5]  }
0x2f: {  	lr =	sadd.s32 s0, s3;
	s0 =	sld [smem:$0x3FAC]  }
0x30: {  	s3 =	sld [smem:$0x3FAF]  }
0x31: {  	[smem:$0x3FB8] =	sst s10  }
0x32: {  	s10 =	sld [smem:$0x3FB6];
	_ =	sdelay $0x3  }
0x33: {  	p0 =	seq.s32 s10, $0x1;
	s10 =	sld [smem:$0x3FB8];
	_ =	sdelay $0x3  }
0x34: {  	[smem:$0x3FB8] =	sst s10  }
0x35: {  	s10 =	sld [smem:$0x3FB7];
	_ =	sdelay $0x3  }
0x36: {  	p1 =	seq.s32 s10, $0x1;
	s10 =	sld [smem:$0x3FB8];
	_ =	sdelay $0x3  }
0x37: {  	[smem:$0x3FB8] =	sst s10  }
0x38: {  	s10 =	sld [smem:$0x3FB9]  }
0x39: {  	_ = 	snop;
	(pc) =	sbr.ind lr, $3  }
0x3a: {  	_ = 	snop  }
0x3b: {  	_ = 	snop  }
0x3c: {  	p2 =	seq.s32 s10, $0x1;
	s10 =	sld [smem:$0x3FB8]  }
0x3d: {  	_ =	shalt  }
0x3e: {  	_ =	shalt  }
0x3f: {  	_ =	shalt  }
0x40: {  	_ =	shalt  }
0x41: {  	_ =	shalt  }
0x42: {  	_ =	shalt  }
0x43: {  	_ =	shalt  }
0x44: {  	_ =	shalt  }
0x45: {  	_ =	shalt  }
0x46: {  	_ =	shalt  }
0x47: {  	_ =	shalt  }
0x48: {  	_ =	shalt  }
0x49: {  	_ =	shalt  }
0x4a: {  	_ =	shalt  }
0x4b: {  	_ =	shalt  }
0x4c: {  	_ =	shalt  }
0x4d: {  	_ =	shalt  }
0x4e: {  	_ =	shalt  }
0x4f: {  	_ =	shalt  }
0x50: {  	_ =	shalt  }
0x51: {  	_ =	shalt  }
0x52: {  	_ =	shalt  }
0x53: {  	_ =	shalt  }
0x54: {  	_ =	shalt  }
0x55: {  	_ =	shalt  }
0x56: {  	_ =	shalt  }
0x57: {  	_ =	shalt  }
0x58: {  	_ =	shalt  }
0x59: {  	_ =	shalt  }
0x5a: {  	_ =	shalt  }
0x5b: {  	_ =	shalt  }
0x5c: {  	_ =	shalt  }
0x5d: {  	_ =	shalt  }
0x5e: {  	_ =	shalt  }
0x5f: {  	_ =	shalt  }
0x60: {  	_ =	shalt  }
0x61: {  	_ =	shalt  }
0x62: {  	_ =	shalt  }
0x63: {  	_ =	shalt  }
0x64: {  	_ =	shalt  }
0x65: {  	_ =	shalt  }
0x66: {  	_ =	shalt  }
0x67: {  	_ =	shalt  }
0x68: {  	_ =	shalt  }
0x69: {  	_ =	shalt  }
0x6a: {  	_ =	shalt  }
0x6b: {  	_ =	shalt  }
0x6c: {  	_ =	shalt  }
0x6d: {  	_ =	shalt  }
0x6e: {  	_ =	shalt  }
0x6f: {  	_ =	shalt  }
0x70: {  	_ =	shalt  }
0x71: {  	_ =	shalt  }
0x72: {  	_ =	shalt  }
0x73: {  	_ =	shalt  }
0x74: {  	_ =	shalt  }
0x75: {  	_ =	shalt  }
0x76: {  	_ =	shalt  }
0x77: {  	_ =	shalt  }
0x78: {  	_ =	shalt  }
0x79: {  	_ =	shalt  }
0x7a: {  	_ =	shalt  }
0x7b: {  	_ =	shalt  }
0x7c: {  	_ =	shalt  }
0x7d: {  	_ =	shalt  }
0x7e: {  	_ =	shalt  }
0x7f: {  	_ =	shalt  }
0x80: {  	_ =	shalt  }
0x81: {  	_ =	shalt  }
0x82: {  	_ =	shalt  }
0x83: {  	_ =	shalt  }
0x84: {  	_ =	shalt  }
0x85: {  	_ =	shalt  }
0x86: {  	_ =	shalt  }
0x87: {  	_ =	shalt  }
.Lfunc_end0:
.L_simem_size_0:
called_computation.3_lowered:
.L_overlay_start_0:
0x88: {  	s2 =	sld [smem:$0x3FD9]  }
0x89: {  	s3 =	sld [smem:$0x3FFE];
	_ =	sdelay $0x1  }
0x8a: {  	s1 =	srdreg.scid  }
0x8b: {  	s0 =	sand.u32 $0x1, s1  }
0x8c: {  	s17 =	sshll.u32 s0, $0xA;
	s2 =	sadd.s32 s3, s2  }
0x8d: {  	s2 =	sadd.s32 s2, s17  }
0x8e: {  	[smem:$0x3FC4] =	sst s2  }
0x8f: {  	_ = 	snop  }
0x90: {  	s2 =	sld [smem:$0x3FD0];
	(tm) =	ssettm $0x1  }
0x91: {  	s18 =	sld [smem:$0x3FFB];
	_ =	sdelay $0x3  }
0x92: {  	_ =	strace s18  }
0x93: {  	s3 =	sld [smem:$0x3FFC];
	_ =	sdelay $0x3  }
0x94: {  	_ =	strace s3  }
0x95: {  	s3 =	sld [smem:$0x3FFD];
	_ =	sdelay $0x3  }
0x96: {  	_ =	strace s3  }
0x97: {  	_ =	strace $0x8FFFFFFF  }
0x98: {  	s19 =	sld [smem:$0x3FDB];
	_ =	sdelay $0x1  }
0x99: {  	s4 =	simm.s32 $_scs_section_size  }
0x9a: {  	s5 =	simm.s32 $_size__tile_overlayer_lowered;
	s6 =	simm.s32 $_tile_overlayer_lowered  }
0x9b: {  	s22 =	simm.s32 $0x1BFF;
	s21 =	sshll.u32 s6, $0x1;
	s3 =	sadd.s32 s4, s19  }
0x9c: {  	s7 =	simm.s32 $0x0;
	s20 =	sshll.u32 s5, $0x1;
	s5 =	sadd.s32 s21, s3  }
0x9d: {  	[timem:s7], [sflag:s22] =	dma.local [hbm:s5], s20  }
0x9e: {  	_ =	swait.ge [sflag:s22], s20  }
0x9f: {  	s4 =	ssub.s32 $0x0, s20;
	[sflag:s22] =	ssyncset.done $0x0  }
0xa0: {  	[sflag:s22] =	ssyncadd.s32 s4;
	_ =	sdelay $0x1  }
0xa1: {  	s23 =	simm.s32 $0x1B8B  }
0xa2: {  	_ =	swait.ge [sflag:s23], $0x1  }
0xa3: {  	[sflag:s23] =	ssyncset.done $0x0  }
0xa4: {  	s25 =	simm.s32 $0x1B8E;
	s24 =	sld [smem:$0x3FFE];
	[sflag:s23] =	ssyncadd.s32 $0xFFFFFFFF  }
0xa5: {  	s26 =	simm.s32 $execute0_lowered;
	[smem:$0x3FD2] =	sst s25  }
0xa6: {  	s5 =	sshll.u32 s26, $0x1;
	_ =	strace $0x80000049;
	[dreg:$0x1] =	wrdreg $0xFFFFFFFF  }
0xa7: {  	s28 =	simm.s32 $_size_execute0_lowered;
	s3 =	sadd.s32 s3, s5;
	[dreg:$0x0] =	wrdreg $0x0  }
0xa8: {  	s5 =	sshll.u32 s28, $0x1;
	[dreg:$0x2] =	wrdreg s3  }
0xa9: {  	[dreg:$0x3] =	wrdreg s5  }
0xaa: {  	[dreg:$0x4] =	wrdreg $0xC0  }
0xab: {  	_ =	task [dreg:s7], $0x5FFFF  }
0xac: {  	[dreg:$0x1] =	wrdreg $0xFFFFFFFF  }
0xad: {  	[dreg:$0x0] =	wrdreg $0x60  }
0xae: {  	[dreg:$0x2] =	wrdreg s2  }
0xaf: {  	[dreg:$0x3] =	wrdreg s24  }
0xb0: {  	[dreg:$0x4] =	wrdreg $0x9  }
0xb1: {  	_ =	task.clear_ibuf [dreg:s7], $0x5FFFF;
	_ =	strace $0x90000049  }
0xb2: {  	s29 =	simm.s32 $0x9;
	_ =	strace $0x8000004B  }
0xb3: {  	_ =	swait.ge [sflag:s29], $0x1  }
0xb4: {  	[sflag:s29] =	ssyncadd.s32 $0xFFFFFFFF  }
0xb5: {  	_ =	strace $0x9000004B  }
0xb6: {  	_ =	sfence  }
0xb7: {  	s30 =	sld [smem:$0x0];
	_ =	sdelay $0x2  }
0xb8: {  	s31 =	sshll.u32 s1, $0xD;
	s1 =	sshrl.u32 s1, $0x2  }
0xb9: {  	s3 =	sand.u32 $0x4000, s31;
	s1 =	sadd.s32 s1, s30  }
0xba: {  	s0 =	sor.u32 s3, s0;
	s1 =	sshll.u32 s1, $0x11  }
0xbb: {  	s0 =	sor.u32 s1, s0  }
0xbc: {  	s0 =	sadd.s32 $0x8F2B, s0  }
0xbd: {  	[sflag:s0] =	ssyncadd.remote.s32 $0x1  }
0xbe: {  	_ =	sfence.sel $0xFFFF  }
0xbf: {  	[dreg:$0x0] =	wrdreg $0xFFFFFFFF;
	(pc) =	sbr.abs _section_cstart, $3  }
0xc0: {  	[dreg:$0x1] =	wrdreg $0xFFFFFFFF  }
0xc1: {  	_ =	task.clear_ibuf [dreg:s7], $0x2FFFF;
	_ =	strace $0x9FFFFFFF  }
0xc2: {  	(tm) =	ssettm $0x7FFFFFFF  }
0xc3: {  	_ =	shalt  }
tec
execute0_lowered:
.L_overlay_start_1:
0x0: {  	(tag) =	ssettag $0x1  }
0x1: {  	s1 =	rddreg [dreg:$0x0]  }
0x2: {  	s0 =	rddreg [dreg:$0x1];
	s3 =	simm.s32 $0x0;
	s2 =	srdreg.scid  }
0x3: {  	s8 =	stileid.u32;
	s14 =	simm.s32 $0x9;
	s20 =	simm.s32 $0xE080  }
0x4: {  	s21 =	simm.s32 $0x1;
	s22 =	simm.s32 $0x10080;
	s23 =	simm.s32 $0x2  }
0x5: {  	s24 =	simm.s32 $0x12080;
	s25 =	simm.s32 $0x3;
	s26 =	simm.s32 $0x14080  }
0x6: {  	s28 =	simm.s32 $0x4;
	s29 =	simm.s32 $0x16080;
	s13 =	simm.s32 $0x0  }
0x7: {  	[smem:$0x7FF] =	sst s3;
	s2 =	sand.u32 $0x1, s2;
	s4 =	sadd.s32 $0x401600, s0  }
0x8: {  	s15 =	sshll.u32 s8, $0x8;
	s6 =	sadd.s32 $0x402600, s0;
	s7 =	sadd.s32 $0x1600, s0  }
0x9: {  	s19 =	sshrl.u32 s8, $0x1;
	_ =	strace $0x8000004A;
	s5 =	sshll.u32 s2, $0x7  }
0xa: {  	[dreg:$0x4] =	wrdreg s6;
	s2 =	ssub.s32 $0x2, s2;
	s6 =	sor.u32 s5, s15  }
0xb: {  	[dreg:$0x3] =	wrdreg s4;
	s16 =	sshrl.u32 s2, $0x1;
	s4 =	sshll.u32 s6, $0xA  }
0xc: {  	s15 =	simm.s32 $0x80;
	s0 =	ssub.s32 s2, s16;
	s18 =	sadd.s32 s1, s4  }
.Ltmp0:
0xd: {  	s0 =	smax.u32 s0, $0x1;
	[dreg:$0x5] =	wrdreg s18;
	(pc) =	sbr.rel .LBB2_1-.Ltmp0, $4  }
0xe: {  	s17 =	sshll.u32 s6, $0x4;
	s30 =	sadd.s32 $0x10, s18;
	[dreg:$0x9] =	wrdreg s0  }
0xf: {  	s16 =	simm.s32 $0x400;
	s31 =	sadd.s32 $0x20, s18;
	[dreg:$0x6] =	wrdreg s30  }
0x10: {  	s2 =	sand.u32 $0x1800, s17;
	s5 =	sadd.s32 $0x30, s18;
	[dreg:$0x7] =	wrdreg s31  }
0x11: {  	v2 =	vlaneseq.u32;
	v0 =	vmov s19;
	v1 =	vmov s2;
	s0 =	simm.s32 $0x7;
	s2 =	simm.s32 $0x8;
	[dreg:$0x8] =	wrdreg s5  }
.LBB2_12:
0x12: {  	s4 =	simm.s32 $0x5  }
0x13: {  	_ =	swait.ge [sflag:s4], $0x2000  }
0x14: {  	[sflag:s4] =	ssyncset.done $0x0  }
0x15: {  	s30 =	simm.s32 $0x6;
	[sflag:s4] =	ssyncadd.s32 $0xFFFFE000  }
0x16: {  	_ =	swait.ge [sflag:s30], $0x2000  }
0x17: {  	[sflag:s30] =	ssyncset.done $0x0  }
0x18: {  	[sflag:s30] =	ssyncadd.s32 $0xFFFFE000  }
0x19: {  	_ =	swait.ge [sflag:s0], $0x2000  }
0x1a: {  	[sflag:s0] =	ssyncset.done $0x0  }
0x1b: {  	[sflag:s0] =	ssyncadd.s32 $0xFFFFE000  }
0x1c: {  	_ =	swait.ge [sflag:s2], $0x2000  }
0x1d: {  	s13 =	sadd.s32 $0x1, s13;
	s31 =	rddreg [dreg:$0x9]  }
0x1e: {  	p0 =	sne.s32 s13, s31  }
.Ltmp1:
0x1f: {  	_ = 	snop;
	(pc) =	sbr.rel @!p0 .LBB2_13-.Ltmp1, $3  }
0x20: {  	_ =	sdelay $0x1  }
0x21: {  	[sflag:s2] =	ssyncset.done $0x0  }
0x22: {  	[sflag:s2] =	ssyncadd.s32 $0xFFFFE000  }
.LBB2_1:
0x23: {  	s4 =	rddreg [dreg:$0x4];
	s5 =	simm.s32 $0x8000  }
0x24: {  	[tilespmem:s5], [sflag:$0x9] =	stream.linear.gather [hbm4b:s4+s3], $0x80, $0x38;
	[tilespmem:$0x18080] =	vst v63  }
0x25: {  	_ =	swait.ge [sflag:s14], $0x80  }
0x26: {  	[sflag:s14] =	ssyncset.done $0x0  }
0x27: {  	s10 =	rddreg [dreg:$0x3];
	[sflag:s14] =	ssyncadd.s32 $0xFFFFFF80  }
0x28: {  	[tilespmem:s3], [sflag:$0x9] =	stream.linear.gather [hbm4b:s10+s3], $0x8000, $0x38;
	[tilespmem:$0x18080] =	vst v63  }
0x29: {  	_ =	swait.ge [sflag:s14], $0x8000  }
0x2a: {  	[sflag:s14] =	ssyncset.done $0x0  }
0x2b: {  	[sflag:s14] =	ssyncadd.s32 $0xFFFF8000  }
0x2c: {  	v3 =	vld [tilespmem:$0x8000]  }
0x2d: {  	s12 =	simm.s32 $0x8080;
	s11 =	rddreg [dreg:$0x5]  }
0x2e: {  	[tilespmem:s12], [sflag:$0x1] =	stream.strided.gather [hbm4b:s11+s15], $0x2000, s16, s15, $0x38;
	[tilespmem:$0x18080] =	vst v63  }
0x2f: {  	s18 =	simm.s32 $0xA080;
	s17 =	rddreg [dreg:$0x6]  }
0x30: {  	[tilespmem:s18], [sflag:$0x2] =	stream.strided.gather [hbm4b:s17+s15], $0x2000, s16, s15, $0x38;
	[tilespmem:$0x18080] =	vst v63  }
0x31: {  	s30 =	simm.s32 $0xC080;
	s19 =	rddreg [dreg:$0x7];
	v3 =	vperm.xlane v3, v0  }
0x32: {  	[tilespmem:s30], [sflag:$0x3] =	stream.strided.gather [hbm4b:s19+s15], $0x2000, s16, s15, $0x38;
	[tilespmem:$0x18080] =	vst v63  }
0x33: {  	s31 =	rddreg [dreg:$0x8];
	s17 =	simm.s32 $0x0;
	v3 =	vsub.s32 v3, v1  }
0x34: {  	[tilespmem:s20], [sflag:$0x4] =	stream.strided.gather [hbm4b:s31+s15], $0x2000, s16, s15, $0x38;
	v3 =	vadd.s32 v2, v3;
	[tilespmem:$0x18080] =	vst v63  }
.LBB2_2:
0x35: {  	s4 =	sshll.u32 s17, $0x6  }
0x36: {  	_ =	swait.ge [sflag:s21], $0x2000;
	v4 =	vmov s4  }
0x37: {  	s5 =	simm.s32 $0x70;
	p0 =	seq.s32 s17, $0x0;
	[sflag:s21] =	ssyncset.done $0x0;
	v4 =	vsub.s32 v3, v4  }
0x38: {  	s9 =	simm.s32 $0x60;
	[sflag:s21] =	ssyncadd.s32 $0xFFFFE000;
	v5 =	vadd.s32 s5, v4;
	s5 =	simm.s32 @!p0 $0x5  }
0x39: {  	s11 =	simm.s32 $0x0;
	v6 =	vadd.s32 s9, v4;
	_ =	swait.ge @!p0 [sflag:s5], $0x2000  }
0x3a: {  	s10 =	simm.s32 $0x10;
	v7 =	vadd.s32 s11, v4;
	[sflag:s5] =	ssyncset.done @!p0 $0x0  }
0x3b: {  	s12 =	simm.s32 $0x20;
	v8 =	vadd.s32 s10, v4;
	[sflag:s5] =	ssyncadd.s32 @!p0 $0xFFFFE000;
	s5 =	simm.s32 $0x80C0  }
0x3c: {  	s18 =	simm.s32 $0x30;
	v9 =	vadd.s32 s12, v4;
	v15 =	vld [tilespmem:s5+$0x20]  }
0x3d: {  	s19 =	simm.s32 $0x40;
	v12 =	vadd.s32 s18, v4;
	v5 =	vld.idx.msk [tilespmem:v5+s3+$0x0], $0xffff  }
0x3e: {  	s30 =	simm.s32 $0x50;
	v14 =	vadd.s32 s19, v4;
	v13 =	vld.idx.msk [tilespmem:v6+s3+$0x0], $0xffff  }
0x3f: {  	v16 =	vadd.s32 s30, v4;
	v6 =	vld.idx.msk [tilespmem:v7+s3+$0x0], $0xffff  }
0x40: {  	v11 =	vld.idx.msk [tilespmem:v8+s3+$0x0], $0xffff  }
0x41: {  	v10 =	vld.idx.msk [tilespmem:v9+s3+$0x0], $0xffff  }
0x42: {  	s18 =	sshll.u32 s17, $0x2;
	v8 =	vld.idx.msk [tilespmem:v12+s3+$0x0], $0xffff  }
0x43: {  	s31 =	sadd.s32 s6, s18;
	v7 =	vld.idx.msk [tilespmem:v14+s3+$0x0], $0xffff  }
0x44: {  	s9 =	sshll.u32 s31, $0xA;
	v9 =	vld.idx.msk [tilespmem:v16+s3+$0x0], $0xffff;
	v13 =	vadd.f32 v15, v13  }
0x45: {  	s19 =	sand.u32 $0x3FE000, s9;
	s9 =	simm.s32 $0x100C0;
	v12 =	vld [tilespmem:s5+$0xFFFFFFC0]  }
0x46: {  	s10 =	sand.u32 $0x40, s4;
	s11 =	simm.s32 $0x0;
	s12 =	simm.s32 $0xF0;
	[tilespmem:s9+$0x20] =	vst v13;
	v13 =	vld [tilespmem:s5+$0xFFFFFFD0]  }
.LBB2_3:
0x47: {  	s8 =	sadd.s32 $0xFFFFFFA0, s12;
	s30 =	sadd.s32 $0xFFFFFFF0, s12;
	v14 =	vadd.s32 s12, v4;
	s11 =	sadd.s32 $0x8, s11;
	v15 =	vld [tilespmem:s5+$0xFFFFFFE0]  }
0x48: {  	s31 =	sadd.s32 $0xFFFFFFC0, s12;
	v16 =	vadd.s32 s8, v4;
	s8 =	sadd.s32 $0xFFFFFFB0, s12;
	v17 =	vadd.s32 s30, v4;
	p1 =	slt.u32 s11, $0x1F8;
	v18 =	vld [tilespmem:s5+$0xFFFFFFF0]  }
0x49: {  	s30 =	sadd.s32 $0xFFFFFF90, s12;
	v20 =	vadd.s32 s31, v4;
	s31 =	sadd.s32 $0xFFFFFFE0, s12;
	v19 =	vadd.s32 s8, v4;
	s8 =	sadd.s32 $0xFFFFFFD0, s12;
	v21 =	vld [tilespmem:s5+$0x0]  }
0x4a: {  	v22 =	vadd.s32 s30, v4;
	v24 =	vadd.s32 s31, v4;
	v23 =	vadd.s32 s8, v4;
	v25 =	vld [tilespmem:s5+$0x10]  }
0x4b: {  	v6 =	vadd.f32 v12, v6;
	v11 =	vadd.f32 v13, v11;
	v12 =	vld [tilespmem:s5+$0x30]  }
0x4c: {  	v13 =	vld.idx.msk [tilespmem:v14+s3+$0x0], $0xffff;
	v10 =	vadd.f32 v15, v10  }
0x4d: {  	s5 =	sadd.s32 $0x80, s5;
	v14 =	vld.idx.msk [tilespmem:v17+s3+$0x0], $0xffff;
	[tilespmem:s9+$0xFFFFFFC0] =	vst v6;
	v8 =	vadd.f32 v18, v8  }
0x4e: {  	v15 =	vld [tilespmem:s5+$0x20];
	[tilespmem:s9+$0xFFFFFFD0] =	vst v11;
	v7 =	vadd.f32 v21, v7  }
0x4f: {  	v6 =	vld.idx.msk [tilespmem:v22+s3+$0x0], $0xffff;
	[tilespmem:s9+$0xFFFFFFE0] =	vst v10;
	v9 =	vadd.f32 v25, v9  }
0x50: {  	v11 =	vld.idx.msk [tilespmem:v16+s3+$0x0], $0xffff;
	[tilespmem:s9+$0xFFFFFFF0] =	vst v8;
	v12 =	vadd.f32 v12, v5  }
0x51: {  	v10 =	vld.idx.msk [tilespmem:v19+s3+$0x0], $0xffff;
	[tilespmem:s9+$0x0] =	vst v7  }
.Ltmp2:
0x52: {  	v5 =	vmov v13;
	v8 =	vld.idx.msk [tilespmem:v20+s3+$0x0], $0xffff;
	[tilespmem:s9+$0x10] =	vst v9;
	(pc) =	sbr.rel @p1 .LBB2_3-.Ltmp2, $4  }
0x53: {  	v7 =	vld.idx.msk [tilespmem:v23+s3+$0x0], $0xffff;
	v13 =	vadd.f32 v15, v14;
	[tilespmem:s9+$0x30] =	vst v12  }
0x54: {  	s9 =	sadd.s32 $0x80, s9;
	v9 =	vld.idx.msk [tilespmem:v24+s3+$0x0], $0xffff  }
0x55: {  	v12 =	vld [tilespmem:s5+$0xFFFFFFC0];
	[tilespmem:s9+$0x20] =	vst v13  }
0x56: {  	s12 =	sadd.s32 $0x80, s12;
	v13 =	vld [tilespmem:s5+$0xFFFFFFD0]  }
0x57: {  	v4 =	vld [tilespmem:s5+$0xFFFFFFE0]  }
0x58: {  	v14 =	vld [tilespmem:s5+$0xFFFFFFF0]  }
0x59: {  	v15 =	vld [tilespmem:s5+$0x0]  }
0x5a: {  	v16 =	vld [tilespmem:s5+$0x10];
	v6 =	vadd.f32 v12, v6  }
0x5b: {  	v12 =	vld [tilespmem:s5+$0x30];
	v11 =	vadd.f32 v13, v11  }
0x5c: {  	v4 =	vadd.f32 v4, v10;
	[tilespmem:s9+$0xFFFFFFC0] =	vst v6  }
0x5d: {  	v6 =	vadd.f32 v14, v8;
	[tilespmem:s9+$0xFFFFFFD0] =	vst v11  }
0x5e: {  	v7 =	vadd.f32 v15, v7;
	[tilespmem:s9+$0xFFFFFFE0] =	vst v4  }
0x5f: {  	v4 =	vadd.f32 v16, v9;
	[tilespmem:s9+$0xFFFFFFF0] =	vst v6  }
0x60: {  	[tilespmem:s9+$0x0] =	vst v7;
	v5 =	vadd.f32 v12, v5  }
0x61: {  	s8 =	sadd.s32 s7, s10;
	[tilespmem:s9+$0x10] =	vst v4  }
0x62: {  	p1 =	seq.s32 s17, $0x1F;
	s5 =	sadd.s32 s19, s8;
	[tilespmem:s9+$0x30] =	vst v5  }
0x63: {  	[hbm4b:s5+s15] =	stream.strided.scatter [tilespmem:s22], [sflag:$0x5], $0x2000, s16, s15, $0x38;
	[tilespmem:$0x18080] =	vst v63  }
0x64: {  	s5 =	sadd.s32 @!p1 $0x4, s18  }
0x65: {  	s8 =	sadd.s32 @!p1 s6, s5;
	s5 =	sshll.u32 @!p1 s5, $0x4  }
0x66: {  	s11 =	sor.u32 $0x10, s4;
	s8 =	sshll.u32 @!p1 s8, $0xA;
	s5 =	sand.u32 @!p1 $0x40, s5  }
0x67: {  	s10 =	simm.s32 @!p1 $0x8080;
	s8 =	sand.u32 @!p1 $0x7FE000, s8;
	s5 =	sadd.s32 @!p1 s1, s5  }
0x68: {  	s9 =	simm.s32 @!p1 $0x400;
	s5 =	sadd.s32 @!p1 s8, s5;
	s8 =	simm.s32 @!p1 $0x80  }
0x69: {  	v4 =	vmov s11;
	[tilespmem:s10], [sflag:$0x1] =	stream.strided.gather @!p1 [hbm4b:s5+s8], $0x2000, s9, s8, $0x38;
	[tilespmem:$0x18080] =	vst v63  }
0x6a: {  	v4 =	vsub.s32 v3, v4;
	s10 =	simm.s32 $0x70;
	_ =	swait.ge [sflag:s23], $0x2000  }
0x6b: {  	s12 =	simm.s32 $0x60;
	v5 =	vadd.s32 s10, v4;
	[sflag:s23] =	ssyncset.done $0x0  }
0x6c: {  	v6 =	vadd.s32 s12, v4;
	s5 =	simm.s32 @!p0 $0x6;
	[sflag:s23] =	ssyncadd.s32 $0xFFFFE000  }
0x6d: {  	s30 =	simm.s32 $0x0;
	_ =	swait.ge @!p0 [sflag:s5], $0x2000  }
0x6e: {  	s31 =	simm.s32 $0x10;
	v7 =	vadd.s32 s30, v4;
	[sflag:s5] =	ssyncset.done @!p0 $0x0  }
0x6f: {  	v9 =	vadd.s32 s31, v4;
	s10 =	simm.s32 $0x20;
	[sflag:s5] =	ssyncadd.s32 @!p0 $0xFFFFE000  }
0x70: {  	s12 =	simm.s32 $0x30;
	v10 =	vadd.s32 s10, v4;
	v5 =	vld.idx.msk [tilespmem:v5+s3+$0x0], $0xffff  }
0x71: {  	s31 =	simm.s32 $0x50;
	v12 =	vadd.s32 s12, v4;
	s5 =	simm.s32 $0xA0C0;
	v13 =	vld.idx.msk [tilespmem:v6+s3+$0x0], $0xffff  }
0x72: {  	v15 =	vadd.s32 s31, v4;
	v14 =	vld [tilespmem:s5+$0x20]  }
0x73: {  	s30 =	simm.s32 $0x40;
	v8 =	vld.idx.msk [tilespmem:v7+s3+$0x0], $0xffff  }
0x74: {  	v6 =	vadd.s32 s30, v4;
	v11 =	vld.idx.msk [tilespmem:v9+s3+$0x0], $0xffff  }
0x75: {  	v10 =	vld.idx.msk [tilespmem:v10+s3+$0x0], $0xffff  }
0x76: {  	v9 =	vld.idx.msk [tilespmem:v12+s3+$0x0], $0xffff  }
0x77: {  	v7 =	vld.idx.msk [tilespmem:v15+s3+$0x0], $0xffff  }
0x78: {  	v12 =	vld [tilespmem:s5+$0xFFFFFFC0];
	v13 =	vadd.f32 v14, v13  }
0x79: {  	s9 =	simm.s32 $0x120C0;
	v6 =	vld.idx.msk [tilespmem:v6+s3+$0x0], $0xffff  }
0x7a: {  	s12 =	simm.s32 $0xF0;
	s10 =	sand.u32 $0x50, s11;
	s11 =	simm.s32 $0x0;
	[tilespmem:s9+$0x20] =	vst v13;
	v13 =	vld [tilespmem:s5+$0xFFFFFFD0]  }
.LBB2_5:
0x7b: {  	s8 =	sadd.s32 $0xFFFFFFA0, s12;
	s30 =	sadd.s32 $0xFFFFFFF0, s12;
	v14 =	vadd.s32 s12, v4;
	s11 =	sadd.s32 $0x8, s11;
	v15 =	vld [tilespmem:s5+$0xFFFFFFE0]  }
0x7c: {  	s31 =	sadd.s32 $0xFFFFFFC0, s12;
	v16 =	vadd.s32 s8, v4;
	s8 =	sadd.s32 $0xFFFFFFB0, s12;
	v17 =	vadd.s32 s30, v4;
	p2 =	slt.u32 s11, $0x1F8;
	v18 =	vld [tilespmem:s5+$0xFFFFFFF0]  }
0x7d: {  	s30 =	sadd.s32 $0xFFFFFF90, s12;
	v20 =	vadd.s32 s31, v4;
	s31 =	sadd.s32 $0xFFFFFFE0, s12;
	v19 =	vadd.s32 s8, v4;
	s8 =	sadd.s32 $0xFFFFFFD0, s12;
	v21 =	vld [tilespmem:s5+$0x0]  }
0x7e: {  	v22 =	vadd.s32 s30, v4;
	v24 =	vadd.s32 s31, v4;
	v23 =	vadd.s32 s8, v4;
	v25 =	vld [tilespmem:s5+$0x10]  }
0x7f: {  	v8 =	vadd.f32 v12, v8;
	v11 =	vadd.f32 v13, v11;
	v12 =	vld [tilespmem:s5+$0x30]  }
0x80: {  	v13 =	vld.idx.msk [tilespmem:v14+s3+$0x0], $0xffff;
	v10 =	vadd.f32 v15, v10  }
0x81: {  	s5 =	sadd.s32 $0x80, s5;
	v14 =	vld.idx.msk [tilespmem:v17+s3+$0x0], $0xffff;
	[tilespmem:s9+$0xFFFFFFC0] =	vst v8;
	v9 =	vadd.f32 v18, v9  }
0x82: {  	v15 =	vld [tilespmem:s5+$0x20];
	[tilespmem:s9+$0xFFFFFFD0] =	vst v11;
	v6 =	vadd.f32 v21, v6  }
0x83: {  	v8 =	vld.idx.msk [tilespmem:v22+s3+$0x0], $0xffff;
	[tilespmem:s9+$0xFFFFFFE0] =	vst v10;
	v7 =	vadd.f32 v25, v7  }
0x84: {  	v11 =	vld.idx.msk [tilespmem:v16+s3+$0x0], $0xffff;
	[tilespmem:s9+$0xFFFFFFF0] =	vst v9;
	v12 =	vadd.f32 v12, v5  }
0x85: {  	v10 =	vld.idx.msk [tilespmem:v19+s3+$0x0], $0xffff;
	[tilespmem:s9+$0x0] =	vst v6  }
.Ltmp3:
0x86: {  	v5 =	vmov v13;
	v9 =	vld.idx.msk [tilespmem:v20+s3+$0x0], $0xffff;
	[tilespmem:s9+$0x10] =	vst v7;
	(pc) =	sbr.rel @p2 .LBB2_5-.Ltmp3, $4  }
0x87: {  	v6 =	vld.idx.msk [tilespmem:v23+s3+$0x0], $0xffff;
	v13 =	vadd.f32 v15, v14;
	[tilespmem:s9+$0x30] =	vst v12  }
0x88: {  	s9 =	sadd.s32 $0x80, s9;
	v7 =	vld.idx.msk [tilespmem:v24+s3+$0x0], $0xffff  }
0x89: {  	v12 =	vld [tilespmem:s5+$0xFFFFFFC0];
	[tilespmem:s9+$0x20] =	vst v13  }
0x8a: {  	s12 =	sadd.s32 $0x80, s12;
	v13 =	vld [tilespmem:s5+$0xFFFFFFD0]  }
0x8b: {  	v4 =	vld [tilespmem:s5+$0xFFFFFFE0]  }
0x8c: {  	v14 =	vld [tilespmem:s5+$0xFFFFFFF0]  }
0x8d: {  	v15 =	vld [tilespmem:s5+$0x0]  }
0x8e: {  	v16 =	vld [tilespmem:s5+$0x10];
	v8 =	vadd.f32 v12, v8  }
0x8f: {  	v12 =	vld [tilespmem:s5+$0x30];
	v11 =	vadd.f32 v13, v11  }
0x90: {  	v4 =	vadd.f32 v4, v10;
	[tilespmem:s9+$0xFFFFFFC0] =	vst v8  }
0x91: {  	v8 =	vadd.f32 v14, v9;
	[tilespmem:s9+$0xFFFFFFD0] =	vst v11  }
0x92: {  	v6 =	vadd.f32 v15, v6;
	[tilespmem:s9+$0xFFFFFFE0] =	vst v4  }
0x93: {  	v4 =	vadd.f32 v16, v7;
	[tilespmem:s9+$0xFFFFFFF0] =	vst v8  }
0x94: {  	[tilespmem:s9+$0x0] =	vst v6;
	v5 =	vadd.f32 v12, v5  }
0x95: {  	s8 =	sadd.s32 s7, s10;
	[tilespmem:s9+$0x10] =	vst v4  }
0x96: {  	s5 =	sadd.s32 s19, s8;
	[tilespmem:s9+$0x30] =	vst v5  }
0x97: {  	[hbm4b:s5+s15] =	stream.strided.scatter [tilespmem:s24], [sflag:$0x6], $0x2000, s16, s15, $0x38;
	[tilespmem:$0x18080] =	vst v63  }
0x98: {  	s5 =	sadd.s32 @!p1 $0x5, s18  }
0x99: {  	s8 =	sadd.s32 @!p1 s6, s5;
	s5 =	sshll.u32 @!p1 s5, $0x4  }
0x9a: {  	s10 =	simm.s32 @!p1 $0xA080;
	s8 =	sshll.u32 @!p1 s8, $0xA;
	s5 =	sand.u32 @!p1 $0x50, s5  }
0x9b: {  	s11 =	sor.u32 $0x20, s4;
	s8 =	sand.u32 @!p1 $0x7FE000, s8;
	s5 =	sadd.s32 @!p1 s1, s5  }
0x9c: {  	s9 =	simm.s32 @!p1 $0x400;
	s5 =	sadd.s32 @!p1 s8, s5;
	s8 =	simm.s32 @!p1 $0x80  }
0x9d: {  	v4 =	vmov s11;
	[tilespmem:s10], [sflag:$0x2] =	stream.strided.gather @!p1 [hbm4b:s5+s8], $0x2000, s9, s8, $0x38;
	[tilespmem:$0x18080] =	vst v63  }
0x9e: {  	v4 =	vsub.s32 v3, v4;
	s10 =	simm.s32 $0x70;
	_ =	swait.ge [sflag:s25], $0x2000  }
0x9f: {  	s12 =	simm.s32 $0x60;
	v5 =	vadd.s32 s10, v4;
	[sflag:s25] =	ssyncset.done $0x0  }
0xa0: {  	v6 =	vadd.s32 s12, v4;
	s5 =	simm.s32 @!p0 $0x7;
	[sflag:s25] =	ssyncadd.s32 $0xFFFFE000  }
0xa1: {  	s30 =	simm.s32 $0x0;
	_ =	swait.ge @!p0 [sflag:s5], $0x2000  }
0xa2: {  	s31 =	simm.s32 $0x10;
	v7 =	vadd.s32 s30, v4;
	[sflag:s5] =	ssyncset.done @!p0 $0x0  }
0xa3: {  	v9 =	vadd.s32 s31, v4;
	s10 =	simm.s32 $0x20;
	[sflag:s5] =	ssyncadd.s32 @!p0 $0xFFFFE000  }
0xa4: {  	s12 =	simm.s32 $0x30;
	v10 =	vadd.s32 s10, v4;
	v5 =	vld.idx.msk [tilespmem:v5+s3+$0x0], $0xffff  }
0xa5: {  	s31 =	simm.s32 $0x50;
	v12 =	vadd.s32 s12, v4;
	s5 =	simm.s32 $0xC0C0;
	v13 =	vld.idx.msk [tilespmem:v6+s3+$0x0], $0xffff  }
0xa6: {  	v15 =	vadd.s32 s31, v4;
	v14 =	vld [tilespmem:s5+$0x20]  }
0xa7: {  	s30 =	simm.s32 $0x40;
	v8 =	vld.idx.msk [tilespmem:v7+s3+$0x0], $0xffff  }
0xa8: {  	v6 =	vadd.s32 s30, v4;
	v11 =	vld.idx.msk [tilespmem:v9+s3+$0x0], $0xffff  }
0xa9: {  	v10 =	vld.idx.msk [tilespmem:v10+s3+$0x0], $0xffff  }
0xaa: {  	v9 =	vld.idx.msk [tilespmem:v12+s3+$0x0], $0xffff  }
0xab: {  	v7 =	vld.idx.msk [tilespmem:v15+s3+$0x0], $0xffff  }
0xac: {  	v12 =	vld [tilespmem:s5+$0xFFFFFFC0];
	v13 =	vadd.f32 v14, v13  }
0xad: {  	s9 =	simm.s32 $0x140C0;
	v6 =	vld.idx.msk [tilespmem:v6+s3+$0x0], $0xffff  }
0xae: {  	s12 =	simm.s32 $0xF0;
	s10 =	sand.u32 $0x60, s11;
	s11 =	simm.s32 $0x0;
	[tilespmem:s9+$0x20] =	vst v13;
	v13 =	vld [tilespmem:s5+$0xFFFFFFD0]  }
.LBB2_7:
0xaf: {  	s8 =	sadd.s32 $0xFFFFFFA0, s12;
	s30 =	sadd.s32 $0xFFFFFFF0, s12;
	v14 =	vadd.s32 s12, v4;
	s11 =	sadd.s32 $0x8, s11;
	v15 =	vld [tilespmem:s5+$0xFFFFFFE0]  }
0xb0: {  	s31 =	sadd.s32 $0xFFFFFFC0, s12;
	v16 =	vadd.s32 s8, v4;
	s8 =	sadd.s32 $0xFFFFFFB0, s12;
	v17 =	vadd.s32 s30, v4;
	p2 =	slt.u32 s11, $0x1F8;
	v18 =	vld [tilespmem:s5+$0xFFFFFFF0]  }
0xb1: {  	s30 =	sadd.s32 $0xFFFFFF90, s12;
	v20 =	vadd.s32 s31, v4;
	s31 =	sadd.s32 $0xFFFFFFE0, s12;
	v19 =	vadd.s32 s8, v4;
	s8 =	sadd.s32 $0xFFFFFFD0, s12;
	v21 =	vld [tilespmem:s5+$0x0]  }
0xb2: {  	v22 =	vadd.s32 s30, v4;
	v24 =	vadd.s32 s31, v4;
	v23 =	vadd.s32 s8, v4;
	v25 =	vld [tilespmem:s5+$0x10]  }
0xb3: {  	v8 =	vadd.f32 v12, v8;
	v11 =	vadd.f32 v13, v11;
	v12 =	vld [tilespmem:s5+$0x30]  }
0xb4: {  	v13 =	vld.idx.msk [tilespmem:v14+s3+$0x0], $0xffff;
	v10 =	vadd.f32 v15, v10  }
0xb5: {  	s5 =	sadd.s32 $0x80, s5;
	v14 =	vld.idx.msk [tilespmem:v17+s3+$0x0], $0xffff;
	[tilespmem:s9+$0xFFFFFFC0] =	vst v8;
	v9 =	vadd.f32 v18, v9  }
0xb6: {  	v15 =	vld [tilespmem:s5+$0x20];
	[tilespmem:s9+$0xFFFFFFD0] =	vst v11;
	v6 =	vadd.f32 v21, v6  }
0xb7: {  	v8 =	vld.idx.msk [tilespmem:v22+s3+$0x0], $0xffff;
	[tilespmem:s9+$0xFFFFFFE0] =	vst v10;
	v7 =	vadd.f32 v25, v7  }
0xb8: {  	v11 =	vld.idx.msk [tilespmem:v16+s3+$0x0], $0xffff;
	[tilespmem:s9+$0xFFFFFFF0] =	vst v9;
	v12 =	vadd.f32 v12, v5  }
0xb9: {  	v10 =	vld.idx.msk [tilespmem:v19+s3+$0x0], $0xffff;
	[tilespmem:s9+$0x0] =	vst v6  }
.Ltmp4:
0xba: {  	v5 =	vmov v13;
	v9 =	vld.idx.msk [tilespmem:v20+s3+$0x0], $0xffff;
	[tilespmem:s9+$0x10] =	vst v7;
	(pc) =	sbr.rel @p2 .LBB2_7-.Ltmp4, $4  }
0xbb: {  	v6 =	vld.idx.msk [tilespmem:v23+s3+$0x0], $0xffff;
	v13 =	vadd.f32 v15, v14;
	[tilespmem:s9+$0x30] =	vst v12  }
0xbc: {  	s9 =	sadd.s32 $0x80, s9;
	v7 =	vld.idx.msk [tilespmem:v24+s3+$0x0], $0xffff  }
0xbd: {  	v12 =	vld [tilespmem:s5+$0xFFFFFFC0];
	[tilespmem:s9+$0x20] =	vst v13  }
0xbe: {  	s12 =	sadd.s32 $0x80, s12;
	v13 =	vld [tilespmem:s5+$0xFFFFFFD0]  }
0xbf: {  	v4 =	vld [tilespmem:s5+$0xFFFFFFE0]  }
0xc0: {  	v14 =	vld [tilespmem:s5+$0xFFFFFFF0]  }
0xc1: {  	v15 =	vld [tilespmem:s5+$0x0]  }
0xc2: {  	v16 =	vld [tilespmem:s5+$0x10];
	v8 =	vadd.f32 v12, v8  }
0xc3: {  	v12 =	vld [tilespmem:s5+$0x30];
	v11 =	vadd.f32 v13, v11  }
0xc4: {  	v4 =	vadd.f32 v4, v10;
	[tilespmem:s9+$0xFFFFFFC0] =	vst v8  }
0xc5: {  	v8 =	vadd.f32 v14, v9;
	[tilespmem:s9+$0xFFFFFFD0] =	vst v11  }
0xc6: {  	v6 =	vadd.f32 v15, v6;
	[tilespmem:s9+$0xFFFFFFE0] =	vst v4  }
0xc7: {  	v4 =	vadd.f32 v16, v7;
	[tilespmem:s9+$0xFFFFFFF0] =	vst v8  }
0xc8: {  	[tilespmem:s9+$0x0] =	vst v6;
	v5 =	vadd.f32 v12, v5  }
0xc9: {  	s12 =	sadd.s32 s7, s10;
	[tilespmem:s9+$0x10] =	vst v4  }
0xca: {  	s5 =	sadd.s32 s19, s12;
	[tilespmem:s9+$0x30] =	vst v5  }
0xcb: {  	[hbm4b:s5+s15] =	stream.strided.scatter [tilespmem:s26], [sflag:$0x7], $0x2000, s16, s15, $0x38;
	[tilespmem:$0x18080] =	vst v63  }
0xcc: {  	s5 =	sadd.s32 @!p1 $0x6, s18  }
0xcd: {  	s8 =	sadd.s32 @!p1 s6, s5;
	s5 =	sshll.u32 @!p1 s5, $0x4  }
0xce: {  	s10 =	simm.s32 @!p1 $0xC080;
	s8 =	sshll.u32 @!p1 s8, $0xA;
	s5 =	sand.u32 @!p1 $0x60, s5  }
0xcf: {  	s11 =	sor.u32 $0x30, s4;
	s8 =	sand.u32 @!p1 $0x7FE000, s8;
	s5 =	sadd.s32 @!p1 s1, s5  }
0xd0: {  	s9 =	simm.s32 @!p1 $0x400;
	s5 =	sadd.s32 @!p1 s8, s5;
	s8 =	simm.s32 @!p1 $0x80  }
0xd1: {  	v4 =	vmov s11;
	[tilespmem:s10], [sflag:$0x3] =	stream.strided.gather @!p1 [hbm4b:s5+s8], $0x2000, s9, s8, $0x38;
	[tilespmem:$0x18080] =	vst v63  }
0xd2: {  	s30 =	simm.s32 $0x70;
	v4 =	vsub.s32 v3, v4;
	_ =	swait.ge [sflag:s28], $0x2000  }
0xd3: {  	s31 =	simm.s32 $0x60;
	v5 =	vadd.s32 s30, v4;
	[sflag:s28] =	ssyncset.done $0x0  }
0xd4: {  	s4 =	simm.s32 @!p0 $0x8;
	v6 =	vadd.s32 s31, v4;
	[sflag:s28] =	ssyncadd.s32 $0xFFFFE000  }
0xd5: {  	s8 =	simm.s32 $0x0;
	_ =	swait.ge @!p0 [sflag:s4], $0x2000  }
0xd6: {  	s9 =	simm.s32 $0x10;
	v7 =	vadd.s32 s8, v4;
	[sflag:s4] =	ssyncset.done @!p0 $0x0  }
0xd7: {  	s10 =	simm.s32 $0x20;
	v9 =	vadd.s32 s9, v4;
	[sflag:s4] =	ssyncadd.s32 @!p0 $0xFFFFE000  }
0xd8: {  	s12 =	simm.s32 $0x30;
	v10 =	vadd.s32 s10, v4;
	v5 =	vld.idx.msk [tilespmem:v5+s3+$0x0], $0xffff  }
0xd9: {  	v12 =	vadd.s32 s12, v4;
	s31 =	simm.s32 $0x50;
	s4 =	simm.s32 $0xE0C0;
	v13 =	vld.idx.msk [tilespmem:v6+s3+$0x0], $0xffff  }
0xda: {  	v15 =	vadd.s32 s31, v4;
	v14 =	vld [tilespmem:s4+$0x20]  }
0xdb: {  	s30 =	simm.s32 $0x40;
	v8 =	vld.idx.msk [tilespmem:v7+s3+$0x0], $0xffff  }
0xdc: {  	v6 =	vadd.s32 s30, v4;
	v11 =	vld.idx.msk [tilespmem:v9+s3+$0x0], $0xffff  }
0xdd: {  	v10 =	vld.idx.msk [tilespmem:v10+s3+$0x0], $0xffff  }
0xde: {  	v9 =	vld.idx.msk [tilespmem:v12+s3+$0x0], $0xffff  }
0xdf: {  	v7 =	vld.idx.msk [tilespmem:v15+s3+$0x0], $0xffff  }
0xe0: {  	v12 =	vld [tilespmem:s4+$0xFFFFFFC0];
	v13 =	vadd.f32 v14, v13  }
0xe1: {  	s5 =	simm.s32 $0x160C0;
	v6 =	vld.idx.msk [tilespmem:v6+s3+$0x0], $0xffff  }
0xe2: {  	s9 =	sand.u32 $0x70, s11;
	s10 =	simm.s32 $0x0;
	s11 =	simm.s32 $0xF0;
	[tilespmem:s5+$0x20] =	vst v13;
	v13 =	vld [tilespmem:s4+$0xFFFFFFD0]  }
.LBB2_9:
0xe3: {  	s8 =	sadd.s32 $0xFFFFFFA0, s11;
	s12 =	sadd.s32 $0xFFFFFFF0, s11;
	v14 =	vadd.s32 s11, v4;
	s10 =	sadd.s32 $0x8, s10;
	v15 =	vld [tilespmem:s4+$0xFFFFFFE0]  }
0xe4: {  	s30 =	sadd.s32 $0xFFFFFFC0, s11;
	v16 =	vadd.s32 s8, v4;
	s8 =	sadd.s32 $0xFFFFFFB0, s11;
	v17 =	vadd.s32 s12, v4;
	p0 =	slt.u32 s10, $0x1F8;
	v18 =	vld [tilespmem:s4+$0xFFFFFFF0]  }
0xe5: {  	s12 =	sadd.s32 $0xFFFFFF90, s11;
	v20 =	vadd.s32 s30, v4;
	s30 =	sadd.s32 $0xFFFFFFE0, s11;
	v19 =	vadd.s32 s8, v4;
	s8 =	sadd.s32 $0xFFFFFFD0, s11;
	v21 =	vld [tilespmem:s4+$0x0]  }
0xe6: {  	v22 =	vadd.s32 s12, v4;
	v24 =	vadd.s32 s30, v4;
	v23 =	vadd.s32 s8, v4;
	v25 =	vld [tilespmem:s4+$0x10]  }
0xe7: {  	v8 =	vadd.f32 v12, v8;
	v11 =	vadd.f32 v13, v11;
	v12 =	vld [tilespmem:s4+$0x30]  }
0xe8: {  	v13 =	vld.idx.msk [tilespmem:v14+s3+$0x0], $0xffff;
	v10 =	vadd.f32 v15, v10  }
0xe9: {  	s4 =	sadd.s32 $0x80, s4;
	v14 =	vld.idx.msk [tilespmem:v17+s3+$0x0], $0xffff;
	[tilespmem:s5+$0xFFFFFFC0] =	vst v8;
	v9 =	vadd.f32 v18, v9  }
0xea: {  	v15 =	vld [tilespmem:s4+$0x20];
	[tilespmem:s5+$0xFFFFFFD0] =	vst v11;
	v6 =	vadd.f32 v21, v6  }
0xeb: {  	v8 =	vld.idx.msk [tilespmem:v22+s3+$0x0], $0xffff;
	[tilespmem:s5+$0xFFFFFFE0] =	vst v10;
	v7 =	vadd.f32 v25, v7  }
0xec: {  	v11 =	vld.idx.msk [tilespmem:v16+s3+$0x0], $0xffff;
	[tilespmem:s5+$0xFFFFFFF0] =	vst v9;
	v12 =	vadd.f32 v12, v5  }
0xed: {  	v10 =	vld.idx.msk [tilespmem:v19+s3+$0x0], $0xffff;
	[tilespmem:s5+$0x0] =	vst v6  }
.Ltmp5:
0xee: {  	v5 =	vmov v13;
	v9 =	vld.idx.msk [tilespmem:v20+s3+$0x0], $0xffff;
	[tilespmem:s5+$0x10] =	vst v7;
	(pc) =	sbr.rel @p0 .LBB2_9-.Ltmp5, $4  }
0xef: {  	v6 =	vld.idx.msk [tilespmem:v23+s3+$0x0], $0xffff;
	v13 =	vadd.f32 v15, v14;
	[tilespmem:s5+$0x30] =	vst v12  }
0xf0: {  	s5 =	sadd.s32 $0x80, s5;
	v7 =	vld.idx.msk [tilespmem:v24+s3+$0x0], $0xffff  }
0xf1: {  	v12 =	vld [tilespmem:s4+$0xFFFFFFC0];
	[tilespmem:s5+$0x20] =	vst v13  }
0xf2: {  	s11 =	sadd.s32 $0x80, s11;
	v13 =	vld [tilespmem:s4+$0xFFFFFFD0]  }
0xf3: {  	v4 =	vld [tilespmem:s4+$0xFFFFFFE0]  }
0xf4: {  	v14 =	vld [tilespmem:s4+$0xFFFFFFF0]  }
0xf5: {  	v15 =	vld [tilespmem:s4+$0x0]  }
0xf6: {  	v62 =	vld [tilespmem:s4+$0x30];
	v8 =	vadd.f32 v12, v8  }
0xf7: {  	v16 =	vld [tilespmem:s4+$0x10];
	v11 =	vadd.f32 v13, v11  }
0xf8: {  	v4 =	vadd.f32 v4, v10;
	[tilespmem:s5+$0xFFFFFFC0] =	vst v8  }
0xf9: {  	v63 =	vadd.f32 v14, v9;
	[tilespmem:s5+$0xFFFFFFD0] =	vst v11  }
0xfa: {  	v6 =	vadd.f32 v15, v6;
	[tilespmem:s5+$0xFFFFFFE0] =	vst v4  }
.Ltmp6:
0xfb: {  	v5 =	vadd.f32 v62, v5;
	[tilespmem:s5+$0xFFFFFFF0] =	vst v63;
	(pc) =	sbr.rel @p1 .LBB2_12-.Ltmp6, $4  }
0xfc: {  	v4 =	vadd.f32 v16, v7;
	[tilespmem:s5+$0x0] =	vst v6  }
0xfd: {  	s31 =	sadd.s32 s7, s9;
	[tilespmem:s5+$0x30] =	vst v5  }
0xfe: {  	s4 =	sadd.s32 s19, s31;
	[tilespmem:s5+$0x10] =	vst v4  }
0xff: {  	[hbm4b:s4+s15] =	stream.strided.scatter [tilespmem:s29], [sflag:$0x8], $0x2000, s16, s15, $0x38;
	[tilespmem:$0x18080] =	vst v63  }
0x100: {  	s4 =	sadd.s32 $0x7, s18  }
.Ltmp7:
0x101: {  	s5 =	sadd.s32 s6, s4;
	s4 =	sshll.u32 s4, $0x4;
	(pc) =	sbr.rel .LBB2_2-.Ltmp7, $4  }
0x102: {  	s5 =	sshll.u32 s5, $0xA;
	s4 =	sand.u32 $0x70, s4  }
0x103: {  	s5 =	sand.u32 $0x7FE000, s5;
	s4 =	sadd.s32 s1, s4  }
0x104: {  	s17 =	sadd.s32 $0x1, s17;
	s4 =	sadd.s32 s5, s4  }
0x105: {  	[tilespmem:s20], [sflag:$0x4] =	stream.strided.gather [hbm4b:s4+s15], $0x2000, s16, s15, $0x38;
	[tilespmem:$0x18080] =	vst v63  }
.LBB2_13:
0x106: {  	_ =	sfence.sel $0x180000  }
0x107: {  	[bflag:$0x0] =	sbarrier.arrive $0xFFFF  }
0x108: {  	_ =	strace $0x9000004A  }
0x109: {  	s0 =	stileid.u32;
	[bflag:$0x2] =	sbarrier.arrive $0xFFFF  }
0x10a: {  	p0 =	sne.s32 s0, $0x0;
	s0 =	rddreg [dreg:$0x2]  }
0x10b: {  	s0 =	sadd.s32 @!p0 $0x100000, s0  }
0x10c: {  	[sflag:s0] =	ssyncadd.tile.s32 @!p0 $0x1;
	_ =	shalt  }
.Lfunc_end2:
_tile_overlayer_lowered:
.L_overlay_start_2:
0x10d: {  	(tag) =	ssettag $0x2  }
0x10e: {  	s0 =	rddreg [dreg:$0x0];
	s2 =	stileid.u32  }
0x10f: {  	s1 =	rddreg [dreg:$0x1];
	p0 =	sne.s32 s2, $0x0  }
0x110: {  	s3 =	rddreg [dreg:$0x2];
	[bflag:$0x3] =	sbarrier.arrive $0xFFFF;
	s2 =	simm.s32 @!p0 $0x1C09  }
0x111: {  	[timem:s3], [sflag:s2] =	dma.local @!p0 [hbm:s0], s1  }
0x112: {  	s0 =	simm.s32 @!p0 $0x9  }
0x113: {  	_ =	swait.ge @!p0 [sflag:s0], s1  }
0x114: {  	s1 =	ssub.s32 @!p0 $0x0, s1;
	[sflag:s0] =	ssyncset.done @!p0 $0x0  }
0x115: {  	[sflag:s0] =	ssyncadd.s32 @!p0 s1  }
0x116: {  	[bflag:$0x3] =	sbarrier.arrive $0xFFFF  }
0x117: {  	_ =	shalt  }

// kernel: sparse-core-data-format-call.1.cloned.1.call-start
scs
called_computation.1_lowered:
.L_overlay_start_0:
0x0: {  	s2 =	sld [smem:$0x3FD9]  }
0x1: {  	s3 =	sld [smem:$0x3FFE];
	_ =	sdelay $0x1  }
0x2: {  	s1 =	srdreg.scid  }
0x3: {  	s0 =	sand.u32 $0x1, s1  }
0x4: {  	s18 =	sshll.u32 s0, $0xA;
	s2 =	sadd.s32 s3, s2  }
0x5: {  	s2 =	sadd.s32 s2, s18  }
0x6: {  	[smem:$0x3FC4] =	sst s2  }
0x7: {  	_ = 	snop  }
0x8: {  	s2 =	sld [smem:$0x3FD0];
	(tm) =	ssettm $0x1  }
0x9: {  	s19 =	sld [smem:$0x3FFB];
	_ =	sdelay $0x3  }
0xa: {  	_ =	strace s19  }
0xb: {  	s3 =	sld [smem:$0x3FFC];
	_ =	sdelay $0x3  }
0xc: {  	_ =	strace s3  }
0xd: {  	s3 =	sld [smem:$0x3FFD];
	_ =	sdelay $0x3  }
0xe: {  	_ =	strace s3  }
0xf: {  	_ =	strace $0x8FFFFFFF  }
0x10: {  	s20 =	sld [smem:$0x3FDB];
	_ =	sdelay $0x1  }
0x11: {  	s4 =	simm.s32 $_scs_section_size  }
0x12: {  	s5 =	simm.s32 $_size__tile_overlayer_lowered;
	s6 =	simm.s32 $_tile_overlayer_lowered  }
0x13: {  	s23 =	simm.s32 $0x1BFF;
	s22 =	sshll.u32 s6, $0x1;
	s3 =	sadd.s32 s4, s20  }
0x14: {  	s7 =	simm.s32 $0x0;
	s21 =	sshll.u32 s5, $0x1;
	s5 =	sadd.s32 s22, s3  }
0x15: {  	[timem:s7], [sflag:s23] =	dma.local [hbm:s5], s21  }
0x16: {  	_ =	swait.ge [sflag:s23], s21  }
0x17: {  	s4 =	ssub.s32 $0x0, s21;
	[sflag:s23] =	ssyncset.done $0x0  }
0x18: {  	[sflag:s23] =	ssyncadd.s32 s4;
	_ =	sdelay $0x1  }
0x19: {  	s24 =	simm.s32 $0x1B8B  }
0x1a: {  	_ =	swait.ge [sflag:s24], $0x1  }
0x1b: {  	[sflag:s24] =	ssyncset.done $0x0  }
0x1c: {  	s26 =	simm.s32 $0x1B8E;
	s25 =	sld [smem:$0x3FFE];
	[sflag:s24] =	ssyncadd.s32 $0xFFFFFFFF  }
0x1d: {  	s27 =	simm.s32 $execute0_lowered;
	[smem:$0x3FD2] =	sst s26  }
0x1e: {  	s5 =	sshll.u32 s27, $0x1;
	_ =	strace $0x8000004C;
	[dreg:$0x1] =	wrdreg $0xFFFFFFFF  }
0x1f: {  	s28 =	simm.s32 $_size_execute0_lowered;
	s3 =	sadd.s32 s3, s5;
	[dreg:$0x0] =	wrdreg $0x0  }
0x20: {  	s5 =	sshll.u32 s28, $0x1;
	[dreg:$0x2] =	wrdreg s3  }
0x21: {  	[dreg:$0x3] =	wrdreg s5  }
0x22: {  	[dreg:$0x4] =	wrdreg $0xC0  }
0x23: {  	_ =	task [dreg:s7], $0x5FFFF  }
0x24: {  	[dreg:$0x1] =	wrdreg $0xFFFFFFFF  }
0x25: {  	[dreg:$0x0] =	wrdreg $0x60  }
0x26: {  	[dreg:$0x2] =	wrdreg s2  }
0x27: {  	[dreg:$0x3] =	wrdreg s25  }
0x28: {  	[dreg:$0x4] =	wrdreg $0x9  }
0x29: {  	_ =	task.clear_ibuf [dreg:s7], $0x5FFFF;
	_ =	strace $0x9000004C  }
0x2a: {  	s29 =	simm.s32 $0x9;
	_ =	strace $0x8000004E  }
0x2b: {  	_ =	swait.ge [sflag:s29], $0x1  }
0x2c: {  	[sflag:s29] =	ssyncadd.s32 $0xFFFFFFFF  }
0x2d: {  	_ =	strace $0x9000004E  }
0x2e: {  	_ =	sfence  }
0x2f: {  	s30 =	sld [smem:$0x0];
	_ =	sdelay $0x2  }
0x30: {  	s31 =	sshll.u32 s1, $0xD;
	s1 =	sshrl.u32 s1, $0x2  }
0x31: {  	s3 =	sand.u32 $0x4000, s31;
	s1 =	sadd.s32 s1, s30  }
0x32: {  	s0 =	sor.u32 s3, s0;
	s1 =	sshll.u32 s1, $0x11  }
0x33: {  	s0 =	sor.u32 s1, s0  }
0x34: {  	s0 =	sadd.s32 $0x8F2B, s0  }
0x35: {  	[sflag:s0] =	ssyncadd.remote.s32 $0x1  }
0x36: {  	_ =	sfence.sel $0xFFFF  }
0x37: {  	[dreg:$0x0] =	wrdreg $0xFFFFFFFF;
	(pc) =	sbr.abs _section_cstart, $3  }
0x38: {  	[dreg:$0x1] =	wrdreg $0xFFFFFFFF  }
0x39: {  	_ =	task.clear_ibuf [dreg:s7], $0x2FFFF;
	_ =	strace $0x9FFFFFFF  }
0x3a: {  	(tm) =	ssettm $0x7FFFFFFF  }
0x3b: {  	_ =	shalt  }
tec
execute0_lowered:
.L_overlay_start_1:
0x0: {  	(tag) =	ssettag $0x1  }
0x1: {  	s2 =	rddreg [dreg:$0x0]  }
0x2: {  	s1 =	rddreg [dreg:$0x1]  }
0x3: {  	s0 =	rddreg [dreg:$0x2];
	_ =	strace $0x8000004D;
	s4 =	srdreg.scid  }
0x4: {  	s6 =	simm.s32 $0x2;
	s12 =	simm.s32 $0x0;
	p0 =	por $0x0, $0x0  }
0x5: {  	s13 =	simm.s32 $0x0;
	s15 =	simm.s32 $0x0;
	s14 =	simm.s32 $0x0  }
.Ltmp0:
0x6: {  	s8 =	simm.s32 $0x0;
	s9 =	simm.s32 $0x0;
	(pc) =	sbr.rel .LBB1_1-.Ltmp0, $4  }
0x7: {  	s10 =	simm.s32 $0x0;
	s3 =	sadd.s32 $0x1600, s1;
	s5 =	sshll.u32 s4, $0x4  }
0x8: {  	s1 =	stileid.u32;
	s4 =	simm.s32 $0x1;
	s5 =	sand.u32 $0x10, s5  }
0x9: {  	s7 =	simm.s32 $0x0;
	[sflag:s4] =	ssyncpa.u1 $0x0;
	s5 =	sor.u32 s1, s5  }
0xa: {  	[sflag:s6] =	ssyncpa.u1 $0x0;
	s6 =	simm.s32 $0x1000;
	s11 =	smov.u32 s5  }
.LBB1_7:
0xb: {  	s16 =	sadd.s32 $0x100, s8  }
0xc: {  	s12 =	sadd.s32 $0x8, s9;
	s17 =	smov.u32 s9;
	p2 =	sgt.s32 s16, $0x1FF  }
0xd: {  	s17 =	smov.u32 @p2 s12  }
0xe: {  	s18 =	smov.u32 s10;
	s12 =	sadd.s32 $0x8, s10;
	p3 =	sgt.s32 s17, $0x7  }
0xf: {  	s18 =	smov.u32 @p3 s12  }
0x10: {  	s19 =	smov.u32 s11;
	s12 =	sadd.s32 $0x20, s11;
	p4 =	sgt.s32 s18, $0x7  }
0x11: {  	p1 =	slt.u32 s7, $0x2;
	s19 =	smov.u32 @p4 s12  }
0x12: {  	s7 =	sadd.s32 $0x1, s7;
	s16 =	simm.s32 @p2 $0x0;
	p2 =	sgt.s32 s19, $0x3FF  }
0x13: {  	s20 =	simm.s32 @!p1 $0x2;
	s19 =	smov.u32 @p2 s5;
	p2 =	sne.s32 s7, $0x42  }
.Ltmp1:
0x14: {  	s13 =	smov.u32 s9;
	_ =	swait.ge @!p1 [sflag:s20], $0x4000;
	(pc) =	sbr.rel @!p2 .LBB1_8-.Ltmp1, $4  }
0x15: {  	s15 =	smov.u32 s10;
	s14 =	smov.u32 s11;
	[sflag:s20] =	ssyncset.done @!p1 $0x0  }
0x16: {  	p0 =	por !p0, !p0;
	s17 =	simm.s32 @p3 $0x0;
	[sflag:s20] =	ssyncadd.s32 @!p1 $0xFFFFC000  }
0x17: {  	s9 =	smov.u32 s17;
	s18 =	simm.s32 @p4 $0x0;
	s12 =	smov.u32 s8  }
0x18: {  	s8 =	smov.u32 s16;
	s10 =	smov.u32 s18;
	s11 =	smov.u32 s19  }
.LBB1_1:
0x19: {  	p1 =	sgt.u32 s7, $0x3F  }
0x1a: {  	s16 =	sxor.u32 @!p1 $0xFFFFFFFF, s7;
	s17 =	sshll.u32 @!p1 s8, $0x3  }
0x1b: {  	s18 =	sshll.u32 @!p1 s9, $0x7;
	s19 =	sand.u32 @!p1 $0x78, s8;
	s20 =	sshll.u32 @!p1 s11, $0xC  }
0x1c: {  	s21 =	sshll.u32 @!p1 s10, $0x9;
	s16 =	sshll.u32 @!p1 s16, $0xE;
	s18 =	sand.u32 @!p1 $0x380, s18  }
0x1d: {  	s17 =	sand.u32 @!p1 $0xC00, s17;
	s16 =	sand.u32 @!p1 $0x4000, s16;
	s18 =	sor.u32 @!p1 s19, s18  }
0x1e: {  	s19 =	sand.u32 @!p1 $0x7, s8;
	s17 =	sor.u32 @!p1 s17, s18;
	s18 =	sadd.s32 @!p1 s2, s20  }
0x1f: {  	s19 =	sshll.u32 @!p1 s19, $0x12;
	s17 =	sshrl.u32 @!p1 s17, $0x3;
	s18 =	sadd.s32 @!p1 s21, s18  }
0x20: {  	s17 =	sadd.s32 @!p1 s17, s18;
	s18 =	sor.u32 @!p1 $0x800, s19;
	s19 =	simm.s32 @!p1 $0x1000  }
0x21: {  	[tilespmem:s16], [sflag:$0x1] =	stream.strided.gather @!p1 [hbm4b:s17+s18], $0x4000, s19, s18, $0x38;
	[tilespmem:$0x10000] =	vst v63  }
0x22: {  	p1 =	seq.s32 s7, $0x0  }
0x23: {  	p2 =	seq.s32 @!p1 s7, $0x41  }
0x24: {  	p1 =	por p1, p2  }
.Ltmp2:
0x25: {  	_ = 	snop;
	(pc) =	sbr.rel @p1 .LBB1_7-.Ltmp2, $1  }
0x26: {  	_ =	sdelay $0x3  }
0x27: {  	s16 =	simm.s32 $0x1;
	_ =	swait.ge [sflag:s4], $0x4000  }
0x28: {  	s31 =	sshll.u32 s7, $0xE;
	s21 =	simm.s32 $0x0;
	p1 =	por $0x0, $0x0  }
0x29: {  	s22 =	simm.s32 $0x0;
	s23 =	simm.s32 $0x0;
	s16 =	simm.s32 @!p0 $0x0  }
0x2a: {  	[sflag:s4] =	ssyncset.done $0x0;
	s19 =	sand.u32 $0x4000, s31;
	s16 =	sshll.u32 s16, $0x10  }
0x2b: {  	[sflag:s4] =	ssyncadd.s32 $0xFFFFC000;
	s20 =	sshrl.u32 s16, $0x2;
	s16 =	sor.u32 $0x8000, s19  }
0x2c: {  	s17 =	sor.u32 $0x40, s20;
	s18 =	sor.u32 $0x8410, s20;
	s20 =	sadd.s32 $0x8400, s20  }
.LBB1_3:
0x2d: {  	v1 =	vld [tilespmem:s17+$0xFFFFFFD0]  }
0x2e: {  	v2 =	vld [tilespmem:s17+$0x430]  }
0x2f: {  	s24 =	sshll.u32 s23, $0xB;
	v4 =	vld [tilespmem:s17+$0xFFFFFFE0]  }
0x30: {  	v7 =	vld [tilespmem:s17+$0xFFFFFFF0];
	v0 =	vmov s24  }
0x31: {  	v8 =	vld [tilespmem:s17+$0x0]  }
0x32: {  	s30 =	sand.u32 $0x300, s21;
	v9 =	vld [tilespmem:s17+$0x10]  }
0x33: {  	s25 =	sand.u32 $0x80, s21;
	v10 =	vld [tilespmem:s17+$0x20];
	s24 =	sadd.s32 s30, s19  }
0x34: {  	v11 =	vld [tilespmem:s17+$0x30];
	s24 =	sadd.s32 s25, s24;
	s25 =	simm.s32 $0x1;
	[tilespmem:s18+$0x60] =	vst v2  }
0x35: {  	s31 =	sshll.u32 s22, $0x2;
	s25 =	simm.s32 @!p1 $0x0;
	[tilespmem:s18+$0xFFFFFC00] =	vst v1;
	v3 =	vld.idx.msk [tilespmem:v0+s24+$0x400 ss:$0x1], $0xffff  }
0x36: {  	v6 =	vld [tilespmem:s17+$0x3D0];
	s25 =	sshll.u32 s25, $0x9;
	[tilespmem:s18+$0xFFFFFC10] =	vst v4;
	s24 =	sand.u32 $0xFFFFFC00, s31  }
0x37: {  	v5 =	vld [tilespmem:s17+$0x3E0];
	[tilespmem:s18+$0xFFFFFC20] =	vst v7;
	s24 =	sor.u32 s25, s24  }
0x38: {  	[tilespmem:s18+$0xFFFFFC30] =	vst v8;
	v4 =	vld [tilespmem:s17+$0x400];
	s24 =	sshrl.u32 s24, $0x2  }
0x39: {  	[tilespmem:s18+$0xFFFFFC40] =	vst v9;
	v1 =	vld [tilespmem:s17+$0x410];
	s24 =	sadd.s32 s24, s20  }
0x3a: {  	[tilespmem:s24+$0x0] =	vst v3;
	v3 =	vld [tilespmem:s17+$0x3F0]  }
0x3b: {  	s28 =	simm.s32 $0x80;
	s27 =	simm.s32 $0x100;
	[tilespmem:s18+$0xFFFFFC50] =	vst v10;
	v2 =	vld [tilespmem:s17+$0x420]  }
0x3c: {  	s26 =	smov.u32 s18;
	s29 =	sand.u32 $0x300, s28;
	v7 =	vld [tilespmem:s17+$0xFFFFFFC0];
	[tilespmem:s18+$0xFFFFFC60] =	vst v11;
	s25 =	sadd.s32 $0x80, s17  }
.LBB1_4:
0x3d: {  	p2 =	sne.s32 s27, $0x380;
	v8 =	vld [tilespmem:s25+$0xFFFFFFD0];
	s28 =	sand.u32 $0x80, s28;
	s29 =	sadd.s32 s29, s19;
	[tilespmem:s26+$0x0] =	vst v6  }
0x3e: {  	s29 =	sadd.s32 s28, s29;
	v6 =	vld [tilespmem:s25+$0x430];
	[tilespmem:s26+$0x10] =	vst v5;
	s28 =	smov.u32 s27  }
0x3f: {  	v5 =	vld.idx.msk [tilespmem:v0+s29+$0x400 ss:$0x1], $0xffff;
	[tilespmem:s26+$0x20] =	vst v3  }
0x40: {  	v3 =	vld [tilespmem:s25+$0xFFFFFFE0];
	[tilespmem:s26+$0x30] =	vst v4  }
0x41: {  	v4 =	vld [tilespmem:s25+$0xFFFFFFF0];
	[tilespmem:s26+$0xFFFFFBF0] =	vst v7  }
0x42: {  	v7 =	vld [tilespmem:s25+$0x0];
	[tilespmem:s26+$0x40] =	vst v1  }
0x43: {  	v1 =	vld [tilespmem:s25+$0x10];
	[tilespmem:s26+$0x50] =	vst v2;
	s26 =	sadd.s32 $0x800, s26  }
0x44: {  	s24 =	sadd.s32 $0x800, s24;
	v2 =	vld [tilespmem:s25+$0x20];
	[tilespmem:s26+$0x60] =	vst v6  }
0x45: {  	v9 =	vld [tilespmem:s25+$0x30];
	[tilespmem:s24+$0x0] =	vst v5  }
0x46: {  	[tilespmem:s26+$0xFFFFFC00] =	vst v8;
	v6 =	vld [tilespmem:s25+$0x3D0]  }
0x47: {  	[tilespmem:s26+$0xFFFFFC10] =	vst v3;
	v5 =	vld [tilespmem:s25+$0x3E0]  }
.Ltmp3:
0x48: {  	[tilespmem:s26+$0xFFFFFC20] =	vst v4;
	v3 =	vld [tilespmem:s25+$0x3F0];
	(pc) =	sbr.rel @p2 .LBB1_4-.Ltmp3, $4  }
0x49: {  	[tilespmem:s26+$0xFFFFFC30] =	vst v7;
	v4 =	vld [tilespmem:s25+$0x400]  }
0x4a: {  	[tilespmem:s26+$0xFFFFFC40] =	vst v1;
	v1 =	vld [tilespmem:s25+$0x410]  }
0x4b: {  	[tilespmem:s26+$0xFFFFFC50] =	vst v2;
	v2 =	vld [tilespmem:s25+$0x420]  }
0x4c: {  	s27 =	sadd.s32 $0x80, s27;
	s29 =	sand.u32 $0x300, s28;
	v7 =	vld [tilespmem:s25+$0xFFFFFFC0];
	[tilespmem:s26+$0xFFFFFC60] =	vst v9;
	s25 =	sadd.s32 $0x80, s25  }
0x4d: {  	[tilespmem:s26+$0x0] =	vst v6  }
0x4e: {  	[tilespmem:s26+$0x10] =	vst v5  }
0x4f: {  	v49 =	vld [tilespmem:s25+$0x430];
	[tilespmem:s26+$0x20] =	vst v3  }
0x50: {  	v50 =	vld [tilespmem:s25+$0xFFFFFFD0];
	[tilespmem:s26+$0x30] =	vst v4  }
0x51: {  	v51 =	vld [tilespmem:s25+$0xFFFFFFE0];
	[tilespmem:s26+$0x40] =	vst v1  }
0x52: {  	v52 =	vld [tilespmem:s25+$0xFFFFFFF0];
	[tilespmem:s26+$0x50] =	vst v2  }
0x53: {  	s31 =	sadd.s32 $0x800, s26;
	v53 =	vld [tilespmem:s25+$0x0];
	[tilespmem:s26+$0xFFFFFBF0] =	vst v7  }
0x54: {  	v54 =	vld [tilespmem:s25+$0x10];
	[tilespmem:s31+$0x60] =	vst v49  }
0x55: {  	v55 =	vld [tilespmem:s25+$0x20];
	[tilespmem:s31+$0xFFFFFC00] =	vst v50  }
0x56: {  	v56 =	vld [tilespmem:s25+$0x30];
	[tilespmem:s31+$0xFFFFFC10] =	vst v51  }
0x57: {  	v57 =	vld [tilespmem:s25+$0x3D0];
	[tilespmem:s31+$0xFFFFFC20] =	vst v52  }
0x58: {  	v58 =	vld [tilespmem:s25+$0x3E0];
	[tilespmem:s31+$0xFFFFFC30] =	vst v53  }
0x59: {  	v59 =	vld [tilespmem:s25+$0x3F0];
	[tilespmem:s31+$0xFFFFFC40] =	vst v54  }
0x5a: {  	v60 =	vld [tilespmem:s25+$0x400];
	[tilespmem:s31+$0xFFFFFC50] =	vst v55  }
0x5b: {  	v61 =	vld [tilespmem:s25+$0xFFFFFFC0];
	[tilespmem:s31+$0xFFFFFC60] =	vst v56  }
0x5c: {  	s27 =	sand.u32 $0x80, s28;
	s30 =	sadd.s32 s29, s19;
	v62 =	vld [tilespmem:s25+$0x410];
	[tilespmem:s31+$0x0] =	vst v57  }
0x5d: {  	v63 =	vld [tilespmem:s25+$0x420];
	s23 =	sadd.s32 $0x1, s23;
	s27 =	sadd.s32 s27, s30;
	[tilespmem:s31+$0x10] =	vst v58  }
0x5e: {  	p2 =	sne.s32 s23, $0x8;
	v0 =	vld.idx.msk [tilespmem:v0+s27+$0x400 ss:$0x1], $0xffff;
	[tilespmem:s31+$0x20] =	vst v59  }
.Ltmp4:
0x5f: {  	[tilespmem:s31+$0x30] =	vst v60;
	(pc) =	sbr.rel @p2 .LBB1_3-.Ltmp4, $4  }
0x60: {  	[tilespmem:s31+$0xFFFFFBF0] =	vst v61  }
0x61: {  	[tilespmem:s31+$0x40] =	vst v62  }
0x62: {  	s24 =	sadd.s32 $0x800, s24;
	s17 =	sadd.s32 $0x800, s17;
	[tilespmem:s31+$0x50] =	vst v63  }
0x63: {  	s22 =	sadd.s32 $0x80, s22;
	p1 =	por !p1, !p1;
	s18 =	sadd.s32 $0x80, s18;
	[tilespmem:s24+$0x0] =	vst v0  }
0x64: {  	s17 =	sshll.u32 s12, $0x3;
	s15 =	sshll.u32 s15, $0x7;
	s18 =	sand.u32 $0x78, s12  }
0x65: {  	s14 =	sshll.u32 s14, $0xC;
	s13 =	sshll.u32 s13, $0x9;
	s15 =	sand.u32 $0x380, s15  }
.Ltmp5:
0x66: {  	s17 =	sand.u32 $0xC00, s17;
	s15 =	sor.u32 s18, s15;
	(pc) =	sbr.rel .LBB1_7-.Ltmp5, $4  }
0x67: {  	s31 =	sand.u32 $0x7, s12;
	s14 =	sadd.s32 s3, s14;
	s15 =	sor.u32 s17, s15  }
0x68: {  	s12 =	sshll.u32 s31, $0x12;
	s13 =	sadd.s32 s13, s14;
	s15 =	sshrl.u32 s15, $0x3  }
0x69: {  	s12 =	sor.u32 $0x800, s12;
	s13 =	sadd.s32 s15, s13  }
0x6a: {  	[hbm4b:s13+s12] =	stream.strided.scatter [tilespmem:s16], [sflag:$0x2], $0x4000, s6, s12, $0x38;
	[tilespmem:$0x10000] =	vst v63  }
.LBB1_8:
0x6b: {  	_ =	sfence.sel $0x180000  }
0x6c: {  	s2 =	simm.s32 $0x1;
	[bflag:$0x0] =	sbarrier.arrive $0xFFFF  }
0x6d: {  	s31 =	simm.s32 $0x2;
	[sflag:s2] =	ssyncpa.u1 $0x1  }
0x6e: {  	[sflag:s31] =	ssyncpa.u1 $0x1  }
0x6f: {  	p0 =	sne.s32 s1, $0x0;
	_ =	strace $0x9000004D  }
0x70: {  	s0 =	sadd.s32 @!p0 $0x100000, s0;
	[bflag:$0x2] =	sbarrier.arrive $0xFFFF  }
0x71: {  	[sflag:s0] =	ssyncadd.tile.s32 @!p0 $0x1;
	_ =	shalt  }
.Lfunc_end1:
_tile_overlayer_lowered:
.L_overlay_start_2:
0x72: {  	(tag) =	ssettag $0x2  }
0x73: {  	s0 =	rddreg [dreg:$0x0];
	s2 =	stileid.u32  }
0x74: {  	s1 =	rddreg [dreg:$0x1];
	p0 =	sne.s32 s2, $0x0  }
0x75: {  	s3 =	rddreg [dreg:$0x2];
	[bflag:$0x3] =	sbarrier.arrive $0xFFFF;
	s2 =	simm.s32 @!p0 $0x1C01  }
0x76: {  	[timem:s3], [sflag:s2] =	dma.local @!p0 [hbm:s0], s1  }
0x77: {  	s0 =	simm.s32 @!p0 $0x1  }
0x78: {  	_ =	swait.ge @!p0 [sflag:s0], s1  }
0x79: {  	s1 =	ssub.s32 @!p0 $0x0, s1;
	[sflag:s0] =	ssyncset.done @!p0 $0x0  }
0x7a: {  	[sflag:s0] =	ssyncadd.s32 @!p0 s1  }
0x7b: {  	[bflag:$0x3] =	sbarrier.arrive $0xFFFF  }
0x7c: {  	_ =	shalt  }

// kernel: sparse-core-data-format-call.2.cloned.1.call-start
scs
called_computation.2_lowered:
.L_overlay_start_0:
0x0: {  	s2 =	sld [smem:$0x3FD9]  }
0x1: {  	s3 =	sld [smem:$0x3FFE];
	_ =	sdelay $0x1  }
0x2: {  	s1 =	srdreg.scid  }
0x3: {  	s0 =	sand.u32 $0x1, s1  }
0x4: {  	s18 =	sshll.u32 s0, $0xA;
	s2 =	sadd.s32 s3, s2  }
0x5: {  	s2 =	sadd.s32 s2, s18  }
0x6: {  	[smem:$0x3FC4] =	sst s2  }
0x7: {  	_ = 	snop  }
0x8: {  	s2 =	sld [smem:$0x3FD0];
	(tm) =	ssettm $0x1  }
0x9: {  	s19 =	sld [smem:$0x3FFB];
	_ =	sdelay $0x3  }
0xa: {  	_ =	strace s19  }
0xb: {  	s3 =	sld [smem:$0x3FFC];
	_ =	sdelay $0x3  }
0xc: {  	_ =	strace s3  }
0xd: {  	s3 =	sld [smem:$0x3FFD];
	_ =	sdelay $0x3  }
0xe: {  	_ =	strace s3  }
0xf: {  	_ =	strace $0x8FFFFFFF  }
0x10: {  	s20 =	sld [smem:$0x3FDB];
	_ =	sdelay $0x1  }
0x11: {  	s4 =	simm.s32 $_scs_section_size  }
0x12: {  	s5 =	simm.s32 $_size__tile_overlayer_lowered;
	s6 =	simm.s32 $_tile_overlayer_lowered  }
0x13: {  	s23 =	simm.s32 $0x1BFF;
	s22 =	sshll.u32 s6, $0x1;
	s3 =	sadd.s32 s4, s20  }
0x14: {  	s7 =	simm.s32 $0x0;
	s21 =	sshll.u32 s5, $0x1;
	s5 =	sadd.s32 s22, s3  }
0x15: {  	[timem:s7], [sflag:s23] =	dma.local [hbm:s5], s21  }
0x16: {  	_ =	swait.ge [sflag:s23], s21  }
0x17: {  	s4 =	ssub.s32 $0x0, s21;
	[sflag:s23] =	ssyncset.done $0x0  }
0x18: {  	[sflag:s23] =	ssyncadd.s32 s4;
	_ =	sdelay $0x1  }
0x19: {  	s24 =	simm.s32 $0x1B8B  }
0x1a: {  	_ =	swait.ge [sflag:s24], $0x1  }
0x1b: {  	[sflag:s24] =	ssyncset.done $0x0  }
0x1c: {  	s26 =	simm.s32 $0x1B8E;
	s25 =	sld [smem:$0x3FFE];
	[sflag:s24] =	ssyncadd.s32 $0xFFFFFFFF  }
0x1d: {  	s27 =	simm.s32 $execute0_lowered;
	[smem:$0x3FD2] =	sst s26  }
0x1e: {  	s5 =	sshll.u32 s27, $0x1;
	_ =	strace $0x80000046;
	[dreg:$0x1] =	wrdreg $0xFFFFFFFF  }
0x1f: {  	s28 =	simm.s32 $_size_execute0_lowered;
	s3 =	sadd.s32 s3, s5;
	[dreg:$0x0] =	wrdreg $0x0  }
0x20: {  	s5 =	sshll.u32 s28, $0x1;
	[dreg:$0x2] =	wrdreg s3  }
0x21: {  	[dreg:$0x3] =	wrdreg s5  }
0x22: {  	[dreg:$0x4] =	wrdreg $0xC0  }
0x23: {  	_ =	task [dreg:s7], $0x5FFFF  }
0x24: {  	[dreg:$0x1] =	wrdreg $0xFFFFFFFF  }
0x25: {  	[dreg:$0x0] =	wrdreg $0x60  }
0x26: {  	[dreg:$0x2] =	wrdreg s2  }
0x27: {  	[dreg:$0x3] =	wrdreg s25  }
0x28: {  	[dreg:$0x4] =	wrdreg $0x9  }
0x29: {  	_ =	task.clear_ibuf [dreg:s7], $0x5FFFF;
	_ =	strace $0x90000046  }
0x2a: {  	s29 =	simm.s32 $0x9;
	_ =	strace $0x80000048  }
0x2b: {  	_ =	swait.ge [sflag:s29], $0x1  }
0x2c: {  	[sflag:s29] =	ssyncadd.s32 $0xFFFFFFFF  }
0x2d: {  	_ =	strace $0x90000048  }
0x2e: {  	_ =	sfence  }
0x2f: {  	s30 =	sld [smem:$0x0];
	_ =	sdelay $0x2  }
0x30: {  	s31 =	sshll.u32 s1, $0xD;
	s1 =	sshrl.u32 s1, $0x2  }
0x31: {  	s3 =	sand.u32 $0x4000, s31;
	s1 =	sadd.s32 s1, s30  }
0x32: {  	s0 =	sor.u32 s3, s0;
	s1 =	sshll.u32 s1, $0x11  }
0x33: {  	s0 =	sor.u32 s1, s0  }
0x34: {  	s0 =	sadd.s32 $0x8F2B, s0  }
0x35: {  	[sflag:s0] =	ssyncadd.remote.s32 $0x1  }
0x36: {  	_ =	sfence.sel $0xFFFF  }
0x37: {  	[dreg:$0x0] =	wrdreg $0xFFFFFFFF;
	(pc) =	sbr.abs _section_cstart, $3  }
0x38: {  	[dreg:$0x1] =	wrdreg $0xFFFFFFFF  }
0x39: {  	_ =	task.clear_ibuf [dreg:s7], $0x2FFFF;
	_ =	strace $0x9FFFFFFF  }
0x3a: {  	(tm) =	ssettm $0x7FFFFFFF  }
0x3b: {  	_ =	shalt  }
tec
execute0_lowered:
.L_overlay_start_1:
0x0: {  	(tag) =	ssettag $0x1  }
0x1: {  	s2 =	rddreg [dreg:$0x0]  }
0x2: {  	s1 =	rddreg [dreg:$0x1]  }
0x3: {  	s0 =	rddreg [dreg:$0x2];
	_ =	strace $0x80000047;
	s4 =	srdreg.scid  }
0x4: {  	s6 =	simm.s32 $0x2;
	s12 =	simm.s32 $0x0;
	p0 =	por $0x0, $0x0  }
0x5: {  	s13 =	simm.s32 $0x0;
	s15 =	simm.s32 $0x0;
	s14 =	simm.s32 $0x0  }
.Ltmp0:
0x6: {  	s8 =	simm.s32 $0x0;
	s9 =	simm.s32 $0x0;
	(pc) =	sbr.rel .LBB1_1-.Ltmp0, $4  }
0x7: {  	s10 =	simm.s32 $0x0;
	s3 =	sadd.s32 $0x1600, s1;
	s5 =	sshll.u32 s4, $0x4  }
0x8: {  	s1 =	stileid.u32;
	s4 =	simm.s32 $0x1;
	s5 =	sand.u32 $0x10, s5  }
0x9: {  	s7 =	simm.s32 $0x0;
	[sflag:s4] =	ssyncpa.u1 $0x0;
	s5 =	sor.u32 s1, s5  }
0xa: {  	[sflag:s6] =	ssyncpa.u1 $0x0;
	s6 =	simm.s32 $0x1000;
	s11 =	smov.u32 s5  }
.LBB1_7:
0xb: {  	s16 =	sadd.s32 $0x100, s8  }
0xc: {  	s12 =	sadd.s32 $0x8, s9;
	s17 =	smov.u32 s9;
	p2 =	sgt.s32 s16, $0x1FF  }
0xd: {  	s17 =	smov.u32 @p2 s12  }
0xe: {  	s18 =	smov.u32 s10;
	s12 =	sadd.s32 $0x8, s10;
	p3 =	sgt.s32 s17, $0x7  }
0xf: {  	s18 =	smov.u32 @p3 s12  }
0x10: {  	s19 =	smov.u32 s11;
	s12 =	sadd.s32 $0x20, s11;
	p4 =	sgt.s32 s18, $0x7  }
0x11: {  	p1 =	slt.u32 s7, $0x2;
	s19 =	smov.u32 @p4 s12  }
0x12: {  	s7 =	sadd.s32 $0x1, s7;
	s16 =	simm.s32 @p2 $0x0;
	p2 =	sgt.s32 s19, $0x3FF  }
0x13: {  	s20 =	simm.s32 @!p1 $0x2;
	s19 =	smov.u32 @p2 s5;
	p2 =	sne.s32 s7, $0x42  }
.Ltmp1:
0x14: {  	s13 =	smov.u32 s9;
	_ =	swait.ge @!p1 [sflag:s20], $0x4000;
	(pc) =	sbr.rel @!p2 .LBB1_8-.Ltmp1, $4  }
0x15: {  	s15 =	smov.u32 s10;
	s14 =	smov.u32 s11;
	[sflag:s20] =	ssyncset.done @!p1 $0x0  }
0x16: {  	p0 =	por !p0, !p0;
	s17 =	simm.s32 @p3 $0x0;
	[sflag:s20] =	ssyncadd.s32 @!p1 $0xFFFFC000  }
0x17: {  	s9 =	smov.u32 s17;
	s18 =	simm.s32 @p4 $0x0;
	s12 =	smov.u32 s8  }
0x18: {  	s8 =	smov.u32 s16;
	s10 =	smov.u32 s18;
	s11 =	smov.u32 s19  }
.LBB1_1:
0x19: {  	p1 =	sgt.u32 s7, $0x3F  }
0x1a: {  	s16 =	sxor.u32 @!p1 $0xFFFFFFFF, s7;
	s17 =	sshll.u32 @!p1 s8, $0x3  }
0x1b: {  	s18 =	sshll.u32 @!p1 s9, $0x7;
	s19 =	sand.u32 @!p1 $0x78, s8;
	s20 =	sshll.u32 @!p1 s11, $0xC  }
0x1c: {  	s21 =	sshll.u32 @!p1 s10, $0x9;
	s16 =	sshll.u32 @!p1 s16, $0xE;
	s18 =	sand.u32 @!p1 $0x380, s18  }
0x1d: {  	s17 =	sand.u32 @!p1 $0xC00, s17;
	s16 =	sand.u32 @!p1 $0x4000, s16;
	s18 =	sor.u32 @!p1 s19, s18  }
0x1e: {  	s19 =	sand.u32 @!p1 $0x7, s8;
	s17 =	sor.u32 @!p1 s17, s18;
	s18 =	sadd.s32 @!p1 s2, s20  }
0x1f: {  	s19 =	sshll.u32 @!p1 s19, $0x12;
	s17 =	sshrl.u32 @!p1 s17, $0x3;
	s18 =	sadd.s32 @!p1 s21, s18  }
0x20: {  	s17 =	sadd.s32 @!p1 s17, s18;
	s18 =	sor.u32 @!p1 $0x800, s19;
	s19 =	simm.s32 @!p1 $0x1000  }
0x21: {  	[tilespmem:s16], [sflag:$0x1] =	stream.strided.gather @!p1 [hbm4b:s17+s18], $0x4000, s19, s18, $0x38;
	[tilespmem:$0x10000] =	vst v63  }
0x22: {  	p1 =	seq.s32 s7, $0x0  }
0x23: {  	p2 =	seq.s32 @!p1 s7, $0x41  }
0x24: {  	p1 =	por p1, p2  }
.Ltmp2:
0x25: {  	_ = 	snop;
	(pc) =	sbr.rel @p1 .LBB1_7-.Ltmp2, $1  }
0x26: {  	_ =	sdelay $0x3  }
0x27: {  	s16 =	simm.s32 $0x1;
	_ =	swait.ge [sflag:s4], $0x4000  }
0x28: {  	s31 =	sshll.u32 s7, $0xE;
	s21 =	simm.s32 $0x0;
	p1 =	por $0x0, $0x0  }
0x29: {  	s22 =	simm.s32 $0x0;
	s23 =	simm.s32 $0x0;
	s16 =	simm.s32 @!p0 $0x0  }
0x2a: {  	[sflag:s4] =	ssyncset.done $0x0;
	s19 =	sand.u32 $0x4000, s31;
	s16 =	sshll.u32 s16, $0x10  }
0x2b: {  	[sflag:s4] =	ssyncadd.s32 $0xFFFFC000;
	s20 =	sshrl.u32 s16, $0x2;
	s16 =	sor.u32 $0x8000, s19  }
0x2c: {  	s17 =	sor.u32 $0x40, s20;
	s18 =	sor.u32 $0x8410, s20;
	s20 =	sadd.s32 $0x8400, s20  }
.LBB1_3:
0x2d: {  	v1 =	vld [tilespmem:s17+$0xFFFFFFD0]  }
0x2e: {  	v2 =	vld [tilespmem:s17+$0x430]  }
0x2f: {  	s24 =	sshll.u32 s23, $0xB;
	v4 =	vld [tilespmem:s17+$0xFFFFFFE0]  }
0x30: {  	v7 =	vld [tilespmem:s17+$0xFFFFFFF0];
	v0 =	vmov s24  }
0x31: {  	v8 =	vld [tilespmem:s17+$0x0]  }
0x32: {  	s30 =	sand.u32 $0x300, s21;
	v9 =	vld [tilespmem:s17+$0x10]  }
0x33: {  	s25 =	sand.u32 $0x80, s21;
	v10 =	vld [tilespmem:s17+$0x20];
	s24 =	sadd.s32 s30, s19  }
0x34: {  	v11 =	vld [tilespmem:s17+$0x30];
	s24 =	sadd.s32 s25, s24;
	s25 =	simm.s32 $0x1;
	[tilespmem:s18+$0x60] =	vst v2  }
0x35: {  	s31 =	sshll.u32 s22, $0x2;
	s25 =	simm.s32 @!p1 $0x0;
	[tilespmem:s18+$0xFFFFFC00] =	vst v1;
	v3 =	vld.idx.msk [tilespmem:v0+s24+$0x400 ss:$0x1], $0xffff  }
0x36: {  	v6 =	vld [tilespmem:s17+$0x3D0];
	s25 =	sshll.u32 s25, $0x9;
	[tilespmem:s18+$0xFFFFFC10] =	vst v4;
	s24 =	sand.u32 $0xFFFFFC00, s31  }
0x37: {  	v5 =	vld [tilespmem:s17+$0x3E0];
	[tilespmem:s18+$0xFFFFFC20] =	vst v7;
	s24 =	sor.u32 s25, s24  }
0x38: {  	[tilespmem:s18+$0xFFFFFC30] =	vst v8;
	v4 =	vld [tilespmem:s17+$0x400];
	s24 =	sshrl.u32 s24, $0x2  }
0x39: {  	[tilespmem:s18+$0xFFFFFC40] =	vst v9;
	v1 =	vld [tilespmem:s17+$0x410];
	s24 =	sadd.s32 s24, s20  }
0x3a: {  	[tilespmem:s24+$0x0] =	vst v3;
	v3 =	vld [tilespmem:s17+$0x3F0]  }
0x3b: {  	s28 =	simm.s32 $0x80;
	s27 =	simm.s32 $0x100;
	[tilespmem:s18+$0xFFFFFC50] =	vst v10;
	v2 =	vld [tilespmem:s17+$0x420]  }
0x3c: {  	s26 =	smov.u32 s18;
	s29 =	sand.u32 $0x300, s28;
	v7 =	vld [tilespmem:s17+$0xFFFFFFC0];
	[tilespmem:s18+$0xFFFFFC60] =	vst v11;
	s25 =	sadd.s32 $0x80, s17  }
.LBB1_4:
0x3d: {  	p2 =	sne.s32 s27, $0x380;
	v8 =	vld [tilespmem:s25+$0xFFFFFFD0];
	s28 =	sand.u32 $0x80, s28;
	s29 =	sadd.s32 s29, s19;
	[tilespmem:s26+$0x0] =	vst v6  }
0x3e: {  	s29 =	sadd.s32 s28, s29;
	v6 =	vld [tilespmem:s25+$0x430];
	[tilespmem:s26+$0x10] =	vst v5;
	s28 =	smov.u32 s27  }
0x3f: {  	v5 =	vld.idx.msk [tilespmem:v0+s29+$0x400 ss:$0x1], $0xffff;
	[tilespmem:s26+$0x20] =	vst v3  }
0x40: {  	v3 =	vld [tilespmem:s25+$0xFFFFFFE0];
	[tilespmem:s26+$0x30] =	vst v4  }
0x41: {  	v4 =	vld [tilespmem:s25+$0xFFFFFFF0];
	[tilespmem:s26+$0xFFFFFBF0] =	vst v7  }
0x42: {  	v7 =	vld [tilespmem:s25+$0x0];
	[tilespmem:s26+$0x40] =	vst v1  }
0x43: {  	v1 =	vld [tilespmem:s25+$0x10];
	[tilespmem:s26+$0x50] =	vst v2;
	s26 =	sadd.s32 $0x800, s26  }
0x44: {  	s24 =	sadd.s32 $0x800, s24;
	v2 =	vld [tilespmem:s25+$0x20];
	[tilespmem:s26+$0x60] =	vst v6  }
0x45: {  	v9 =	vld [tilespmem:s25+$0x30];
	[tilespmem:s24+$0x0] =	vst v5  }
0x46: {  	[tilespmem:s26+$0xFFFFFC00] =	vst v8;
	v6 =	vld [tilespmem:s25+$0x3D0]  }
0x47: {  	[tilespmem:s26+$0xFFFFFC10] =	vst v3;
	v5 =	vld [tilespmem:s25+$0x3E0]  }
.Ltmp3:
0x48: {  	[tilespmem:s26+$0xFFFFFC20] =	vst v4;
	v3 =	vld [tilespmem:s25+$0x3F0];
	(pc) =	sbr.rel @p2 .LBB1_4-.Ltmp3, $4  }
0x49: {  	[tilespmem:s26+$0xFFFFFC30] =	vst v7;
	v4 =	vld [tilespmem:s25+$0x400]  }
0x4a: {  	[tilespmem:s26+$0xFFFFFC40] =	vst v1;
	v1 =	vld [tilespmem:s25+$0x410]  }
0x4b: {  	[tilespmem:s26+$0xFFFFFC50] =	vst v2;
	v2 =	vld [tilespmem:s25+$0x420]  }
0x4c: {  	s27 =	sadd.s32 $0x80, s27;
	s29 =	sand.u32 $0x300, s28;
	v7 =	vld [tilespmem:s25+$0xFFFFFFC0];
	[tilespmem:s26+$0xFFFFFC60] =	vst v9;
	s25 =	sadd.s32 $0x80, s25  }
0x4d: {  	[tilespmem:s26+$0x0] =	vst v6  }
0x4e: {  	[tilespmem:s26+$0x10] =	vst v5  }
0x4f: {  	v49 =	vld [tilespmem:s25+$0x430];
	[tilespmem:s26+$0x20] =	vst v3  }
0x50: {  	v50 =	vld [tilespmem:s25+$0xFFFFFFD0];
	[tilespmem:s26+$0x30] =	vst v4  }
0x51: {  	v51 =	vld [tilespmem:s25+$0xFFFFFFE0];
	[tilespmem:s26+$0x40] =	vst v1  }
0x52: {  	v52 =	vld [tilespmem:s25+$0xFFFFFFF0];
	[tilespmem:s26+$0x50] =	vst v2  }
0x53: {  	s31 =	sadd.s32 $0x800, s26;
	v53 =	vld [tilespmem:s25+$0x0];
	[tilespmem:s26+$0xFFFFFBF0] =	vst v7  }
0x54: {  	v54 =	vld [tilespmem:s25+$0x10];
	[tilespmem:s31+$0x60] =	vst v49  }
0x55: {  	v55 =	vld [tilespmem:s25+$0x20];
	[tilespmem:s31+$0xFFFFFC00] =	vst v50  }
0x56: {  	v56 =	vld [tilespmem:s25+$0x30];
	[tilespmem:s31+$0xFFFFFC10] =	vst v51  }
0x57: {  	v57 =	vld [tilespmem:s25+$0x3D0];
	[tilespmem:s31+$0xFFFFFC20] =	vst v52  }
0x58: {  	v58 =	vld [tilespmem:s25+$0x3E0];
	[tilespmem:s31+$0xFFFFFC30] =	vst v53  }
0x59: {  	v59 =	vld [tilespmem:s25+$0x3F0];
	[tilespmem:s31+$0xFFFFFC40] =	vst v54  }
0x5a: {  	v60 =	vld [tilespmem:s25+$0x400];
	[tilespmem:s31+$0xFFFFFC50] =	vst v55  }
0x5b: {  	v61 =	vld [tilespmem:s25+$0xFFFFFFC0];
	[tilespmem:s31+$0xFFFFFC60] =	vst v56  }
0x5c: {  	s27 =	sand.u32 $0x80, s28;
	s30 =	sadd.s32 s29, s19;
	v62 =	vld [tilespmem:s25+$0x410];
	[tilespmem:s31+$0x0] =	vst v57  }
0x5d: {  	v63 =	vld [tilespmem:s25+$0x420];
	s23 =	sadd.s32 $0x1, s23;
	s27 =	sadd.s32 s27, s30;
	[tilespmem:s31+$0x10] =	vst v58  }
0x5e: {  	p2 =	sne.s32 s23, $0x8;
	v0 =	vld.idx.msk [tilespmem:v0+s27+$0x400 ss:$0x1], $0xffff;
	[tilespmem:s31+$0x20] =	vst v59  }
.Ltmp4:
0x5f: {  	[tilespmem:s31+$0x30] =	vst v60;
	(pc) =	sbr.rel @p2 .LBB1_3-.Ltmp4, $4  }
0x60: {  	[tilespmem:s31+$0xFFFFFBF0] =	vst v61  }
0x61: {  	[tilespmem:s31+$0x40] =	vst v62  }
0x62: {  	s24 =	sadd.s32 $0x800, s24;
	s17 =	sadd.s32 $0x800, s17;
	[tilespmem:s31+$0x50] =	vst v63  }
0x63: {  	s22 =	sadd.s32 $0x80, s22;
	p1 =	por !p1, !p1;
	s18 =	sadd.s32 $0x80, s18;
	[tilespmem:s24+$0x0] =	vst v0  }
0x64: {  	s17 =	sshll.u32 s12, $0x3;
	s15 =	sshll.u32 s15, $0x7;
	s18 =	sand.u32 $0x78, s12  }
0x65: {  	s14 =	sshll.u32 s14, $0xC;
	s13 =	sshll.u32 s13, $0x9;
	s15 =	sand.u32 $0x380, s15  }
.Ltmp5:
0x66: {  	s17 =	sand.u32 $0xC00, s17;
	s15 =	sor.u32 s18, s15;
	(pc) =	sbr.rel .LBB1_7-.Ltmp5, $4  }
0x67: {  	s31 =	sand.u32 $0x7, s12;
	s14 =	sadd.s32 s3, s14;
	s15 =	sor.u32 s17, s15  }
0x68: {  	s12 =	sshll.u32 s31, $0x12;
	s13 =	sadd.s32 s13, s14;
	s15 =	sshrl.u32 s15, $0x3  }
0x69: {  	s12 =	sor.u32 $0x800, s12;
	s13 =	sadd.s32 s15, s13  }
0x6a: {  	[hbm4b:s13+s12] =	stream.strided.scatter [tilespmem:s16], [sflag:$0x2], $0x4000, s6, s12, $0x38;
	[tilespmem:$0x10000] =	vst v63  }
.LBB1_8:
0x6b: {  	_ =	sfence.sel $0x180000  }
0x6c: {  	s2 =	simm.s32 $0x1;
	[bflag:$0x0] =	sbarrier.arrive $0xFFFF  }
0x6d: {  	s31 =	simm.s32 $0x2;
	[sflag:s2] =	ssyncpa.u1 $0x1  }
0x6e: {  	[sflag:s31] =	ssyncpa.u1 $0x1  }
0x6f: {  	p0 =	sne.s32 s1, $0x0;
	_ =	strace $0x90000047  }
0x70: {  	s0 =	sadd.s32 @!p0 $0x100000, s0;
	[bflag:$0x2] =	sbarrier.arrive $0xFFFF  }
0x71: {  	[sflag:s0] =	ssyncadd.tile.s32 @!p0 $0x1;
	_ =	shalt  }
.Lfunc_end1:
_tile_overlayer_lowered:
.L_overlay_start_2:
0x72: {  	(tag) =	ssettag $0x2  }
0x73: {  	s0 =	rddreg [dreg:$0x0];
	s2 =	stileid.u32  }
0x74: {  	s1 =	rddreg [dreg:$0x1];
	p0 =	sne.s32 s2, $0x0  }
0x75: {  	s3 =	rddreg [dreg:$0x2];
	[bflag:$0x3] =	sbarrier.arrive $0xFFFF;
	s2 =	simm.s32 @!p0 $0x1C01  }
0x76: {  	[timem:s3], [sflag:s2] =	dma.local @!p0 [hbm:s0], s1  }
0x77: {  	s0 =	simm.s32 @!p0 $0x1  }
0x78: {  	_ =	swait.ge @!p0 [sflag:s0], s1  }
0x79: {  	s1 =	ssub.s32 @!p0 $0x0, s1;
	[sflag:s0] =	ssyncset.done @!p0 $0x0  }
0x7a: {  	[sflag:s0] =	ssyncadd.s32 @!p0 s1  }
0x7b: {  	[bflag:$0x3] =	sbarrier.arrive $0xFFFF  }
0x7c: {  	_ =	shalt  }

// kernel: sparse-core-data-format-call.cloned.1.call-start
scs
called_computation_lowered:
.L_overlay_start_0:
0x0: {  	s2 =	sld [smem:$0x3FD9]  }
0x1: {  	s3 =	sld [smem:$0x3FFE];
	_ =	sdelay $0x1  }
0x2: {  	s1 =	srdreg.scid  }
0x3: {  	s0 =	sand.u32 $0x1, s1  }
0x4: {  	s18 =	sshll.u32 s0, $0xA;
	s2 =	sadd.s32 s3, s2  }
0x5: {  	s2 =	sadd.s32 s2, s18  }
0x6: {  	[smem:$0x3FC4] =	sst s2  }
0x7: {  	_ = 	snop  }
0x8: {  	s2 =	sld [smem:$0x3FD0];
	(tm) =	ssettm $0x1  }
0x9: {  	s19 =	sld [smem:$0x3FFB];
	_ =	sdelay $0x3  }
0xa: {  	_ =	strace s19  }
0xb: {  	s3 =	sld [smem:$0x3FFC];
	_ =	sdelay $0x3  }
0xc: {  	_ =	strace s3  }
0xd: {  	s3 =	sld [smem:$0x3FFD];
	_ =	sdelay $0x3  }
0xe: {  	_ =	strace s3  }
0xf: {  	_ =	strace $0x8FFFFFFF  }
0x10: {  	s20 =	sld [smem:$0x3FDB];
	_ =	sdelay $0x1  }
0x11: {  	s4 =	simm.s32 $_scs_section_size  }
0x12: {  	s5 =	simm.s32 $_size__tile_overlayer_lowered;
	s6 =	simm.s32 $_tile_overlayer_lowered  }
0x13: {  	s23 =	simm.s32 $0x1BFF;
	s22 =	sshll.u32 s6, $0x1;
	s3 =	sadd.s32 s4, s20  }
0x14: {  	s7 =	simm.s32 $0x0;
	s21 =	sshll.u32 s5, $0x1;
	s5 =	sadd.s32 s22, s3  }
0x15: {  	[timem:s7], [sflag:s23] =	dma.local [hbm:s5], s21  }
0x16: {  	_ =	swait.ge [sflag:s23], s21  }
0x17: {  	s4 =	ssub.s32 $0x0, s21;
	[sflag:s23] =	ssyncset.done $0x0  }
0x18: {  	[sflag:s23] =	ssyncadd.s32 s4;
	_ =	sdelay $0x1  }
0x19: {  	s24 =	simm.s32 $0x1B8B  }
0x1a: {  	_ =	swait.ge [sflag:s24], $0x1  }
0x1b: {  	[sflag:s24] =	ssyncset.done $0x0  }
0x1c: {  	s26 =	simm.s32 $0x1B8E;
	s25 =	sld [smem:$0x3FFE];
	[sflag:s24] =	ssyncadd.s32 $0xFFFFFFFF  }
0x1d: {  	s27 =	simm.s32 $execute0_lowered;
	[smem:$0x3FD2] =	sst s26  }
0x1e: {  	s5 =	sshll.u32 s27, $0x1;
	_ =	strace $0x8000004F;
	[dreg:$0x1] =	wrdreg $0xFFFFFFFF  }
0x1f: {  	s28 =	simm.s32 $_size_execute0_lowered;
	s3 =	sadd.s32 s3, s5;
	[dreg:$0x0] =	wrdreg $0x0  }
0x20: {  	s5 =	sshll.u32 s28, $0x1;
	[dreg:$0x2] =	wrdreg s3  }
0x21: {  	[dreg:$0x3] =	wrdreg s5  }
0x22: {  	[dreg:$0x4] =	wrdreg $0xC0  }
0x23: {  	_ =	task [dreg:s7], $0x5FFFF  }
0x24: {  	[dreg:$0x1] =	wrdreg $0xFFFFFFFF  }
0x25: {  	[dreg:$0x0] =	wrdreg $0x60  }
0x26: {  	[dreg:$0x2] =	wrdreg s25  }
0x27: {  	[dreg:$0x3] =	wrdreg s2  }
0x28: {  	[dreg:$0x4] =	wrdreg $0x9  }
0x29: {  	_ =	task.clear_ibuf [dreg:s7], $0x5FFFF;
	_ =	strace $0x9000004F  }
0x2a: {  	s29 =	simm.s32 $0x9;
	_ =	strace $0x80000051  }
0x2b: {  	_ =	swait.ge [sflag:s29], $0x1  }
0x2c: {  	[sflag:s29] =	ssyncadd.s32 $0xFFFFFFFF  }
0x2d: {  	_ =	strace $0x90000051  }
0x2e: {  	_ =	sfence  }
0x2f: {  	s30 =	sld [smem:$0x0];
	_ =	sdelay $0x2  }
0x30: {  	s31 =	sshll.u32 s1, $0xD;
	s1 =	sshrl.u32 s1, $0x2  }
0x31: {  	s3 =	sand.u32 $0x4000, s31;
	s1 =	sadd.s32 s1, s30  }
0x32: {  	s0 =	sor.u32 s3, s0;
	s1 =	sshll.u32 s1, $0x11  }
0x33: {  	s0 =	sor.u32 s1, s0  }
0x34: {  	s0 =	sadd.s32 $0x8F2B, s0  }
0x35: {  	[sflag:s0] =	ssyncadd.remote.s32 $0x1  }
0x36: {  	_ =	sfence.sel $0xFFFF  }
0x37: {  	[dreg:$0x0] =	wrdreg $0xFFFFFFFF;
	(pc) =	sbr.abs _section_cstart, $3  }
0x38: {  	[dreg:$0x1] =	wrdreg $0xFFFFFFFF  }
0x39: {  	_ =	task.clear_ibuf [dreg:s7], $0x2FFFF;
	_ =	strace $0x9FFFFFFF  }
0x3a: {  	(tm) =	ssettm $0x7FFFFFFF  }
0x3b: {  	_ =	shalt  }
tec
execute0_lowered:
.L_overlay_start_1:
0x0: {  	(tag) =	ssettag $0x1  }
0x1: {  	s4 =	rddreg [dreg:$0x0]  }
0x2: {  	s2 =	rddreg [dreg:$0x1]  }
0x3: {  	s0 =	stileid.u32;
	s1 =	rddreg [dreg:$0x2];
	_ =	strace $0x80000050  }
0x4: {  	s6 =	srdreg.scid;
	s31 =	simm.s32 $0x2;
	s15 =	simm.s32 $0x0  }
0x5: {  	s17 =	simm.s32 $0x0;
	s18 =	simm.s32 $0x0;
	s16 =	simm.s32 $0x0  }
0x6: {  	s10 =	simm.s32 $0x0;
	s11 =	simm.s32 $0x0;
	s3 =	sshll.u32 s0, $0x7  }
0x7: {  	s14 =	simm.s32 $0x0;
	s6 =	sshll.u32 s6, $0x4;
	s3 =	sand.u32 $0x180, s3  }
0x8: {  	s4 =	sadd.s32 $0x1600, s4;
	s6 =	sand.u32 $0x10, s6;
	s5 =	ssub.s32 $0x200, s3  }
0x9: {  	s7 =	sand.u32 $0x180, s5;
	s8 =	sshrl.u32 s5, $0x9;
	s5 =	simm.s32 $0x1  }
.Ltmp0:
0xa: {  	p0 =	sne.s32 s7, $0x0;
	s7 =	simm.s32 $0x1;
	(pc) =	sbr.rel .LBB1_1-.Ltmp0, $4  }
0xb: {  	s9 =	sor.u32 s0, s6;
	[sflag:s5] =	ssyncpa.u1 $0x0;
	s7 =	simm.s32 @!p0 $0x0  }
0xc: {  	s13 =	smov.u32 s3;
	[sflag:s31] =	ssyncpa.u1 $0x0;
	s30 =	sadd.s32 s7, s8  }
0xd: {  	p0 =	por $0x0, $0x0;
	s7 =	sshrl.u32 s9, $0x2;
	s6 =	sshll.u32 s30, $0x6  }
0xe: {  	s9 =	simm.s32 $0x2000;
	s12 =	smov.u32 s7;
	s8 =	sor.u32 $0x1, s6  }
.LBB1_4:
0xf: {  	v5 =	vld [tilespmem:s21+$0xFFFFFFD0];
	[tilespmem:s22+$0x2040 ss:$0x81] =	vst.msk $0xffff, v1  }
0x10: {  	v58 =	vld [tilespmem:s21+$0xFFFFFFE0];
	[tilespmem:s22+$0x2850 ss:$0x81] =	vst.msk $0xffff, v2  }
0x11: {  	s23 =	sshra.s32 s23, $0x2;
	v59 =	vld [tilespmem:s21+$0xFFFFFFF0];
	[tilespmem:s22+$0x3060 ss:$0x81] =	vst.msk $0xffff, v3  }
0x12: {  	v60 =	vld [tilespmem:s21+$0x0];
	[tilespmem:s22+$0x0 ss:$0x81] =	vst.msk $0xffff, v0;
	s20 =	sadd.s32 s23, s20  }
0x13: {  	v61 =	vld [tilespmem:s21+$0x10];
	s25 =	sand.u32 $0x78, s16;
	s26 =	sshll.u32 s18, $0x9;
	s24 =	sshll.u32 s16, $0x3;
	[tilespmem:s20+$0x3870 ss:$0x81] =	vst.msk $0xffff, v4  }
0x14: {  	v62 =	vld [tilespmem:s21+$0x20];
	s27 =	sshll.u32 s18, $0x7;
	s17 =	sshll.u32 s17, $0x13;
	s15 =	sshll.u32 s15, $0xA;
	[tilespmem:s20+$0x810 ss:$0x81] =	vst.msk $0xffff, v5  }
0x15: {  	v63 =	vld [tilespmem:s21+$0xFFFFFFC0];
	s30 =	sand.u32 $0x7, s16;
	s23 =	sand.u32 $0x1000, s26;
	s24 =	sand.u32 $0x1C00, s24;
	[tilespmem:s20+$0x1020 ss:$0x81] =	vst.msk $0xffff, v58  }
0x16: {  	s29 =	sand.u32 $0x200, s27;
	s18 =	sand.u32 $0x180, s27;
	s28 =	sadd.s32 s24, s23;
	[tilespmem:s20+$0x1830 ss:$0x81] =	vst.msk $0xffff, v59  }
0x17: {  	s17 =	sadd.s32 s2, s17;
	s18 =	sor.u32 s25, s18;
	s21 =	sor.u32 s29, s28;
	[tilespmem:s20+$0x2040 ss:$0x81] =	vst.msk $0xffff, v60  }
0x18: {  	s15 =	sadd.s32 s15, s17;
	s18 =	sshrl.u32 s18, $0x3;
	s21 =	sshrl.u32 s21, $0x3;
	[tilespmem:s20+$0x2850 ss:$0x81] =	vst.msk $0xffff, v61  }
0x19: {  	s16 =	sshll.u32 s30, $0x12;
	s15 =	sadd.s32 s18, s15;
	[tilespmem:s20+$0x3060 ss:$0x81] =	vst.msk $0xffff, v62;
	s31 =	sand.u32 $0x3C0, s21  }
0x1a: {  	s16 =	sor.u32 $0x80, s16;
	[tilespmem:s20+$0x0 ss:$0x81] =	vst.msk $0xffff, v63;
	s15 =	sadd.s32 s31, s15  }
0x1b: {  	[hbm4b:s15+s16] =	stream.strided.scatter [tilespmem:s19], [sflag:$0x2], $0x4000, s9, s16, $0x20;
	[tilespmem:$0x10100] =	vst v63  }
.LBB1_5:
0x1c: {  	s19 =	sadd.s32 $0x80, s10  }
0x1d: {  	s15 =	simm.s32 $0x1;
	p2 =	sgt.s32 s19, $0x1FF  }
0x1e: {  	s15 =	simm.s32 @!p2 $0x0  }
0x1f: {  	s20 =	sadd.s32 s15, s11  }
0x20: {  	s21 =	smov.u32 s12;
	s15 =	sadd.s32 $0x8, s12;
	p3 =	sgt.s32 s20, $0x7  }
0x21: {  	s21 =	smov.u32 @p3 s15  }
0x22: {  	s22 =	smov.u32 s13;
	s15 =	sadd.s32 $0x200, s13;
	p4 =	sgt.s32 s21, $0xF  }
0x23: {  	p1 =	slt.u32 s14, $0x2;
	s22 =	smov.u32 @p4 s15  }
0x24: {  	s17 =	smov.u32 s11;
	s19 =	simm.s32 @p2 $0x0;
	p2 =	sgt.s32 s22, $0x1FF  }
0x25: {  	s23 =	simm.s32 @!p1 $0x2;
	s22 =	smov.u32 @p2 s3;
	p2 =	sne.s32 s14, s8  }
.Ltmp1:
0x26: {  	s18 =	smov.u32 s12;
	_ =	swait.ge @!p1 [sflag:s23], $0x4000;
	(pc) =	sbr.rel @!p2 .LBB1_6-.Ltmp1, $4  }
0x27: {  	s16 =	smov.u32 s13;
	[sflag:s23] =	ssyncset.done @!p1 $0x0;
	s20 =	simm.s32 @p3 $0x0  }
0x28: {  	p0 =	por !p0, !p0;
	[sflag:s23] =	ssyncadd.s32 @!p1 $0xFFFFC000;
	s11 =	smov.u32 s20  }
0x29: {  	s21 =	smov.u32 @p4 s7;
	s15 =	smov.u32 s10;
	s10 =	smov.u32 s19  }
0x2a: {  	s12 =	smov.u32 s21;
	s14 =	sadd.s32 $0x1, s14;
	s13 =	smov.u32 s22  }
.LBB1_1:
0x2b: {  	p1 =	sge.u32 s14, s6  }
0x2c: {  	s31 =	sadd.s32 $0xFFFFFFFF, s14;
	s19 =	sxor.u32 @!p1 $0xFFFFFFFF, s14;
	s20 =	sshll.u32 @!p1 s10, $0x3  }
0x2d: {  	s21 =	sshll.u32 @!p1 s11, $0x7;
	s22 =	sand.u32 @!p1 $0x78, s10;
	s23 =	sshll.u32 @!p1 s13, $0xD  }
0x2e: {  	s24 =	sshll.u32 @!p1 s12, $0x9;
	s19 =	sshll.u32 @!p1 s19, $0xE;
	s21 =	sand.u32 @!p1 $0x380, s21  }
0x2f: {  	s20 =	sand.u32 @!p1 $0xC00, s20;
	s19 =	sand.u32 @!p1 $0x4000, s19;
	s21 =	sor.u32 @!p1 s22, s21  }
0x30: {  	s22 =	sand.u32 @!p1 $0x7, s10;
	s20 =	sor.u32 @!p1 s20, s21;
	s21 =	sadd.s32 @!p1 s4, s23  }
0x31: {  	s22 =	sshll.u32 @!p1 s22, $0x12;
	s20 =	sshrl.u32 @!p1 s20, $0x3;
	s21 =	sadd.s32 @!p1 s24, s21  }
0x32: {  	s20 =	sadd.s32 @!p1 s20, s21;
	s21 =	sor.u32 @!p1 $0x80, s22;
	s22 =	simm.s32 @!p1 $0x10000  }
0x33: {  	[tilespmem:s19], [sflag:$0x1] =	stream.strided.gather @!p1 [hbm4b:s20+s21], $0x4000, s22, s21, $0x38;
	[tilespmem:$0x10100] =	vst v63  }
0x34: {  	p1 =	sge.u32 s31, s6  }
.Ltmp2:
0x35: {  	_ = 	snop;
	(pc) =	sbr.rel @p1 .LBB1_5-.Ltmp2, $1  }
0x36: {  	_ =	sdelay $0x3  }
0x37: {  	s19 =	simm.s32 $0x1  }
0x38: {  	_ =	swait.ge [sflag:s5], $0x4000;
	s19 =	simm.s32 @!p0 $0x0  }
0x39: {  	[sflag:s5] =	ssyncset.done $0x0;
	s20 =	sshll.u32 s19, $0xE  }
0x3a: {  	[sflag:s5] =	ssyncadd.s32 $0xFFFFC000;
	s21 =	sor.u32 $0x40, s20  }
0x3b: {  	s19 =	smul.u32 $0x10200, s19;
	v0 =	vld [tilespmem:s21+$0x30]  }
0x3c: {  	v3 =	vld [tilespmem:s21+$0xFFFFFFD0]  }
0x3d: {  	s19 =	sshrl.u32 s19, $0x2;
	v4 =	vld [tilespmem:s21+$0xFFFFFFE0]  }
0x3e: {  	v5 =	vld [tilespmem:s21+$0xFFFFFFF0];
	s20 =	sor.u32 $0x8000, s19  }
0x3f: {  	s31 =	sand.u32 $0x1, s14;
	v1 =	vld [tilespmem:s21+$0x0];
	s22 =	sadd.s32 $0x0, s20  }
0x40: {  	v2 =	vld [tilespmem:s21+$0x10];
	s19 =	smul.u32 $0x10200, s31;
	[tilespmem:s22+$0x3870 ss:$0x81] =	vst.msk $0xffff, v0  }
0x41: {  	[tilespmem:s22+$0x810 ss:$0x81] =	vst.msk $0xffff, v3;
	v3 =	vld [tilespmem:s21+$0x20]  }
0x42: {  	s19 =	sshrl.u32 s19, $0x2;
	v0 =	vld [tilespmem:s21+$0xFFFFFFC0];
	[tilespmem:s22+$0x1020 ss:$0x81] =	vst.msk $0xffff, v4;
	s21 =	sadd.s32 $0x80, s21  }
0x43: {  	s23 =	simm.s32 $0x4;
	s24 =	simm.s32 $0x8;
	s19 =	sor.u32 $0x8000, s19;
	[tilespmem:s22+$0x1830 ss:$0x81] =	vst.msk $0xffff, v5;
	v4 =	vld [tilespmem:s21+$0x30]  }
.LBB1_3:
0x44: {  	p1 =	sne.s32 s24, $0x1FC;
	v5 =	vld [tilespmem:s21+$0xFFFFFFD0];
	[tilespmem:s22+$0x2040 ss:$0x81] =	vst.msk $0xffff, v1  }
0x45: {  	v6 =	vld [tilespmem:s21+$0xFFFFFFE0];
	[tilespmem:s22+$0x2850 ss:$0x81] =	vst.msk $0xffff, v2  }
0x46: {  	s25 =	sshra.s32 s23, $0x2;
	s23 =	smov.u32 s24;
	v7 =	vld [tilespmem:s21+$0xFFFFFFF0];
	[tilespmem:s22+$0x3060 ss:$0x81] =	vst.msk $0xffff, v3  }
.Ltmp3:
0x47: {  	v1 =	vld [tilespmem:s21+$0x0];
	[tilespmem:s22+$0x0 ss:$0x81] =	vst.msk $0xffff, v0;
	s22 =	sadd.s32 s25, s20;
	(pc) =	sbr.rel @p1 .LBB1_3-.Ltmp3, $4  }
0x48: {  	v2 =	vld [tilespmem:s21+$0x10];
	[tilespmem:s22+$0x3870 ss:$0x81] =	vst.msk $0xffff, v4  }
0x49: {  	[tilespmem:s22+$0x810 ss:$0x81] =	vst.msk $0xffff, v5;
	v3 =	vld [tilespmem:s21+$0x20]  }
0x4a: {  	v0 =	vld [tilespmem:s21+$0xFFFFFFC0];
	[tilespmem:s22+$0x1020 ss:$0x81] =	vst.msk $0xffff, v6;
	s21 =	sadd.s32 $0x80, s21  }
0x4b: {  	s24 =	sadd.s32 $0x4, s24;
	v4 =	vld [tilespmem:s21+$0x30];
	[tilespmem:s22+$0x1830 ss:$0x81] =	vst.msk $0xffff, v7  }
.Ltmp4:
0x4c: {  	_ = 	snop;
	(pc) =	sbr.rel .LBB1_4-.Ltmp4, $1  }
0x4d: {  	_ =	sdelay $0x3  }
.LBB1_6:
0x4e: {  	_ =	sfence.sel $0x180000  }
0x4f: {  	s2 =	simm.s32 $0x1;
	[bflag:$0x0] =	sbarrier.arrive $0xFFFF  }
0x50: {  	s31 =	simm.s32 $0x2;
	[sflag:s2] =	ssyncpa.u1 $0x1  }
0x51: {  	[sflag:s31] =	ssyncpa.u1 $0x1  }
0x52: {  	p0 =	sne.s32 s0, $0x0;
	_ =	strace $0x90000050  }
0x53: {  	s0 =	sadd.s32 @!p0 $0x100000, s1;
	[bflag:$0x2] =	sbarrier.arrive $0xFFFF  }
0x54: {  	[sflag:s0] =	ssyncadd.tile.s32 @!p0 $0x1;
	_ =	shalt  }
.Lfunc_end1:
_tile_overlayer_lowered:
.L_overlay_start_2:
0x55: {  	(tag) =	ssettag $0x2  }
0x56: {  	s0 =	rddreg [dreg:$0x0];
	s2 =	stileid.u32  }
0x57: {  	s1 =	rddreg [dreg:$0x1];
	p0 =	sne.s32 s2, $0x0  }
0x58: {  	s3 =	rddreg [dreg:$0x2];
	[bflag:$0x3] =	sbarrier.arrive $0xFFFF;
	s2 =	simm.s32 @!p0 $0x1C01  }
0x59: {  	[timem:s3], [sflag:s2] =	dma.local @!p0 [hbm:s0], s1  }
0x5a: {  	s0 =	simm.s32 @!p0 $0x1  }
0x5b: {  	_ =	swait.ge @!p0 [sflag:s0], s1  }
0x5c: {  	s1 =	ssub.s32 @!p0 $0x0, s1;
	[sflag:s0] =	ssyncset.done @!p0 $0x0  }
0x5d: {  	[sflag:s0] =	ssyncadd.s32 @!p0 s1  }
0x5e: {  	[bflag:$0x3] =	sbarrier.arrive $0xFFFF  }
0x5f: {  	_ =	shalt  }

</sc_bundles>
